<compile_context>
chip_gen: v7x
topology: tpu7x:2x2x1
jax: 0.10.2.dev20260603
libtpu: 0.0.44.dev20260713+nightly
codegen_flags: <defaults>
</compile_context>

<pallas_src>
import functools
import jax
import jax.numpy as jnp
from jax import lax
from jax.experimental import pallas as pl
from jax.experimental.pallas import tpu as pltpu
from jax.experimental.pallas import tpu_sc as plsc

N = 10000
NPAD = 10240
E = 320000
D = 128

NC = 2
NS = 16
NW = NC * NS
EPT = E // NW
K = 80
NCH = EPT // K
EPTP = EPT
NSLOT = 4
RPT = NPAD // NS

_MESH = plsc.VectorSubcoreMesh(core_axis_name="c", subcore_axis_name="s")
_SC_PARAMS = pltpu.CompilerParams(needs_layout_passes=False)


@functools.partial(
    pl.kernel,
    out_type=jax.ShapeDtypeStruct((NW * NPAD,), jnp.float32),
    mesh=_MESH,
    scratch_types=[
        pltpu.VMEM((EPT,), jnp.int32),
        pltpu.VMEM((NPAD,), jnp.float32),
    ],
    compiler_params=_SC_PARAMS,
)
def _deg_kernel(dst_hbm, deg_out, idx_v, deg_v):
    c = lax.axis_index("c")
    s = lax.axis_index("s")
    wid = c * NS + s
    base = wid * EPT
    pltpu.sync_copy(dst_hbm.at[pl.ds(base, EPT)], idx_v)

    zeros = jnp.zeros((16,), jnp.float32)
    ones = jnp.ones((16,), jnp.float32)

    def zbody(i, carry):
        for u in range(5):
            deg_v[pl.ds((i * 5 + u) * 16, 16)] = zeros
        return carry

    lax.fori_loop(0, NPAD // 16 // 5, zbody, 0)

    def sbody(i, carry):
        for u in range(5):
            idx = idx_v[pl.ds((i * 5 + u) * 16, 16)]
            plsc.addupdate_scatter(deg_v, [idx], ones)
        return carry

    lax.fori_loop(0, EPT // 16 // 5, sbody, 0)
    pltpu.sync_copy(deg_v, deg_out.at[pl.ds(wid * NPAD, NPAD)])


@functools.partial(
    pl.kernel,
    out_type=jax.ShapeDtypeStruct((NC, NPAD, D), jnp.float32),
    mesh=_MESH,
    scratch_types=[
        [pltpu.VMEM((K,), jnp.int32)] * NSLOT,
        [pltpu.VMEM((K,), jnp.int32)] * NSLOT,
        [pltpu.VMEM((K, D), jnp.float32)] * NSLOT,
        pltpu.VMEM_SHARED((NPAD, D), jnp.float32),
        [pltpu.SemaphoreType.DMA] * NSLOT,
        [pltpu.SemaphoreType.DMA] * NSLOT,
        [pltpu.SemaphoreType.DMA] * NSLOT,
        [pltpu.SemaphoreType.DMA] * NSLOT,
    ],
    compiler_params=_SC_PARAMS,
)
def _agg_kernel(hs_hbm, src_hbm, dst_hbm, part_out, sidx, didx, rows,
                acc_sh, sem_si, sem_d, sem_g, sem_s):
    c = lax.axis_index("c")
    s = lax.axis_index("s")
    wid = c * NS + s
    base = wid * EPTP
    io_chunks = [(i * K, K) for i in range(RPT // K)]
    if RPT % K:
        io_chunks.append((RPT // K * K, RPT % K))

    zeros = jnp.zeros((16,), jnp.float32)

    def zbody(t, carry):
        rows[0][t // (D // 16), pl.ds((t % (D // 16)) * 16, 16)] = zeros
        return carry

    lax.fori_loop(0, K * (D // 16), zbody, 0)
    for off, ln in io_chunks:
        pltpu.sync_copy(rows[0].at[pl.ds(0, ln), :],
                        acc_sh.at[pl.ds(s * RPT + off, ln), :])
    plsc.subcore_barrier()

    def sidx_cp(t, b):
        return pltpu.make_async_copy(src_hbm.at[pl.ds(base + t * K, K)],
                                     sidx[b], sem_si[b])

    def didx_cp(t, b):
        return pltpu.make_async_copy(dst_hbm.at[pl.ds(base + t * K, K)],
                                     didx[b], sem_d[b])

    for t0 in range(2):
        sidx_cp(t0, t0).start()

    def body(g, carry):
        for b in range(NSLOT):
            t = g * NSLOT + b
            bp = (b + 2) % NSLOT

            @pl.when(jnp.logical_and(t >= NSLOT, t < NCH + NSLOT))
            def _():
                pltpu.make_async_copy(rows[b], acc_sh.at[didx[b]],
                                      sem_s[b]).wait()

            @pl.when(t < NCH)
            def _():
                didx_cp(t, b).start()

            @pl.when(t < NCH)
            def _():
                sidx_cp(t, b).wait()
                pltpu.async_copy(hs_hbm.at[sidx[b]], rows[b], sem_g[b])

            @pl.when(jnp.logical_and(t >= 2, t < NCH + 2))
            def _():
                pltpu.make_async_copy(hs_hbm.at[sidx[bp]], rows[bp],
                                      sem_g[bp]).wait()
                didx_cp(t - 2, bp).wait()
                pltpu.async_copy(rows[bp], acc_sh.at[didx[bp]], sem_s[bp],
                                 add=True)

            @pl.when(t + 2 < NCH)
            def _():
                sidx_cp(t + 2, bp).start()

        return carry

    lax.fori_loop(0, (NCH + NSLOT + NSLOT - 1) // NSLOT, body, 0)
    plsc.subcore_barrier()

    for off, ln in io_chunks:
        r0 = s * RPT + off
        pltpu.sync_copy(acc_sh.at[pl.ds(r0, ln), :],
                        part_out.at[c, pl.ds(r0, ln), :])


def _mm_body(x_ref, w_ref, degp_ref, hs_ref):
    deg = jnp.sum(degp_ref[...], axis=1) + 1.0
    dinv = lax.rsqrt(deg)
    h = jnp.dot(x_ref[...], w_ref[...], preferred_element_type=jnp.float32)
    hs_ref[...] = h * dinv[:, None]


def _out_body(p_ref, hs_ref, degp_ref, b_ref, o_ref):
    deg = jnp.sum(degp_ref[...], axis=1) + 1.0
    dinv = lax.rsqrt(deg)
    v = (p_ref[0] + p_ref[1] + hs_ref[...]) * dinv[:, None] + b_ref[...]
    m = jnp.max(v, axis=1, keepdims=True)
    z = v - m
    o_ref[...] = z - jnp.log(jnp.sum(jnp.exp(z), axis=1, keepdims=True))


_BN = 5000


def kernel(x, edge_index, W, b):
    src = edge_index[0]
    dst = edge_index[1]
    degp = _deg_kernel(dst).reshape(NW, NPAD).T

    hs = pl.pallas_call(
        _mm_body,
        grid=(N // _BN,),
        in_specs=[
            pl.BlockSpec((_BN, D), lambda i: (i, 0)),
            pl.BlockSpec((D, D), lambda i: (0, 0)),
            pl.BlockSpec((_BN, NW), lambda i: (i, 0)),
        ],
        out_specs=pl.BlockSpec((_BN, D), lambda i: (i, 0)),
        out_shape=jax.ShapeDtypeStruct((N, D), jnp.float32),
    )(x, W, degp)

    parts = _agg_kernel(hs, src, dst)

    out = pl.pallas_call(
        _out_body,
        grid=(N // _BN,),
        in_specs=[
            pl.BlockSpec((NC, _BN, D), lambda i: (0, i, 0)),
            pl.BlockSpec((_BN, D), lambda i: (i, 0)),
            pl.BlockSpec((_BN, NW), lambda i: (i, 0)),
            pl.BlockSpec((1, D), lambda i: (0, 0)),
        ],
        out_specs=pl.BlockSpec((_BN, D), lambda i: (i, 0)),
        out_shape=jax.ShapeDtypeStruct((N, D), jnp.float32),
    )(parts, hs, degp, b.reshape(1, D))

    return out

# --- scband reference (transcript-rebuilt; emitter-appended) ---
"""Pipeline reference for scband-cls-2310692405649 (READ-ONLY COPY).

The authoritative reference and input builder live on the scoring server;
editing this copy changes nothing except your own understanding.
"""

import jax, jax.numpy as jnp
import numpy as np

N = 10000
E = 320000
D_IN = 128
D_OUT = 128

def setup_inputs(seed: int = 0) -> dict:
    key = jax.random.key(seed)
    k1, k2, k3 = jax.random.split(key, 3)
    x = jax.random.normal(k1, (N, D_IN), dtype=jnp.float32)
    edge_index = jax.random.randint(k2, (2, E), 0, N, dtype=jnp.int32)
    # GCNConv weight (glorot-ish) and bias
    W = jax.random.normal(k3, (D_IN, D_OUT), dtype=jnp.float32) * (1.0 / np.sqrt(D_IN))
    b = jnp.zeros((D_OUT,), dtype=jnp.float32)
    return {"x": x, "edge_index": edge_index, "W": W, "b": b}

def reference(x, edge_index, W, b):
    # GCNConv(cached=False, add_self_loops=True, normalize=True) followed by log_softmax
    n = x.shape[0]
    loop = jnp.arange(n, dtype=edge_index.dtype)
    src = jnp.concatenate([edge_index[0], loop])
    dst = jnp.concatenate([edge_index[1], loop])
    # symmetric normalization: deg^{-1/2}[src] * deg^{-1/2}[dst], deg over targets with self-loops
    deg = jnp.zeros((n,), dtype=x.dtype).at[dst].add(1.0)
    dinv = jnp.where(deg > 0, jax.lax.rsqrt(deg), 0.0)
    norm = dinv[src] * dinv[dst]
    # linear transform then gather-scale-scatter_add aggregation
    h = x @ W
    msg = jnp.take(h, src, axis=0) * norm[:, None]
    out = jnp.zeros((n, h.shape[1]), dtype=h.dtype).at[dst].add(msg)
    out = out + b
    return jax.nn.log_softmax(out, axis=1)

if __name__ == "__main__":
    import jax
    _d = setup_inputs()
    print(jax.jit(kernel)(*tuple(_d.values())))

</pallas_src>

<mosaic_0001>
#map = affine_map<(d0, d1) -> (0)>
module attributes {stable_mosaic.version = 14 : i64} {
  func.func @_deg_kernel(%arg0: i32, %arg1: i32, %arg2: memref<320000xi32, #tpu.memory_space<hbm>>, %arg3: memref<327680xf32, #tpu.memory_space<hbm>>, %arg4: memref<10000xi32, #tpu.memory_space<vmem>>, %arg5: memref<10240xf32, #tpu.memory_space<vmem>>) attributes {dimension_semantics = [#tpu.dimension_semantics<core_parallel>, #tpu.dimension_semantics<subcore_parallel>], iteration_bounds = array<i64: 2, 16>, scalar_prefetch = 0 : i64, scratch_operands = 2 : i64, tpu.core_type = #tpu.core_type<sc_vector_subcore>, window_params = [{transform_indices = #map}, {transform_indices = #map}]} {
    %mul3A = arith.constant 16 : i32
    %mul3A_0 = arith.muli %arg0, %mul3A : i32
    %add3A = arith.addi %mul3A_0, %arg1 : i32
    %mul3A_1 = arith.constant 10000 : i32
    %mul3A_2 = arith.muli %add3A, %mul3A_1 : i32
    "tpu.region"() ({
      %run_scoped3A = tpu.sem_alloc : memref<!tpu.dma_semaphore, #tpu.memory_space<semaphore_mem>>
      %dma_start3A = tpu.memref_slice %arg2[%mul3A_2] : memref<320000xi32, #tpu.memory_space<hbm>> -> memref<10000xi32, #tpu.memory_space<hbm>>
      %dma_start3A_19 = tpu.memref_slice %arg2[%mul3A_2] : memref<320000xi32, #tpu.memory_space<hbm>> -> memref<10000xi32, #tpu.memory_space<hbm>>
      tpu.enqueue_dma source(%dma_start3A_19 : memref<10000xi32, #tpu.memory_space<hbm>>) target(%arg4 : memref<10000xi32, #tpu.memory_space<vmem>>) target_semaphore(%run_scoped3A : memref<!tpu.dma_semaphore, #tpu.memory_space<semaphore_mem>>)
      %dma_wait3A = tpu.memref_slice %arg2[%mul3A_2] : memref<320000xi32, #tpu.memory_space<hbm>> -> memref<10000xi32, #tpu.memory_space<hbm>>
      %dma_wait3A_20 = tpu.memref_slice %arg2[%mul3A_2] : memref<320000xi32, #tpu.memory_space<hbm>> -> memref<10000xi32, #tpu.memory_space<hbm>>
      tpu.wait_dma2 semaphore(%run_scoped3A : memref<!tpu.dma_semaphore, #tpu.memory_space<semaphore_mem>>) src(%dma_wait3A_20 : memref<10000xi32, #tpu.memory_space<hbm>>) dst(%arg4 : memref<10000xi32, #tpu.memory_space<vmem>>)
      tpu.yield
    }) : () -> ()
    %broadcast_in_dim3A = arith.constant 0.000000e+00 : f32
    %broadcast_in_dim3A_3 = vector.broadcast %broadcast_in_dim3A : f32 to vector<16xf32>
    %broadcast_in_dim3A_4 = arith.constant 1.000000e+00 : f32
    %broadcast_in_dim3A_5 = vector.broadcast %broadcast_in_dim3A_4 : f32 to vector<16xf32>
    %scan3A = arith.constant 0 : i32
    %scan3A_6 = arith.constant 0 : i32
    %scan3A_7 = arith.constant 128 : i32
    %scan3A_8 = arith.addi %scan3A_6, %scan3A_7 : i32
    %scan3A_9 = arith.constant 1 : i32
    scf.for %scan3A_19 = %scan3A_6 to %scan3A_8 step %scan3A_9  : i32 {
      %mul3A_20 = arith.constant 5 : i32
      %mul3A_21 = arith.muli %scan3A_19, %mul3A_20 : i32
      %add3A_22 = arith.constant 0 : i32
      %add3A_23 = arith.addi %mul3A_21, %add3A_22 : i32
      %mul3A_24 = arith.constant 16 : i32
      %mul3A_25 = arith.muli %add3A_23, %mul3A_24 : i32
      %swap3A = arith.index_cast %mul3A_25 : i32 to index
      %swap3A_26 = tpu.vector_load %arg5[%swap3A] {strides = array<i32>} : memref<10240xf32, #tpu.memory_space<vmem>>, vector<16xf32>,
      tpu.vector_store %arg5[%swap3A], %broadcast_in_dim3A_3 {strides = array<i32>} : memref<10240xf32, #tpu.memory_space<vmem>>, vector<16xf32>,
      %mul3A_27 = arith.constant 5 : i32
      %mul3A_28 = arith.muli %scan3A_19, %mul3A_27 : i32
      %add3A_29 = arith.constant 1 : i32
      %add3A_30 = arith.addi %mul3A_28, %add3A_29 : i32
      %mul3A_31 = arith.constant 16 : i32
      %mul3A_32 = arith.muli %add3A_30, %mul3A_31 : i32
      %swap3A_33 = arith.index_cast %mul3A_32 : i32 to index
      %swap3A_34 = tpu.vector_load %arg5[%swap3A_33] {strides = array<i32>} : memref<10240xf32, #tpu.memory_space<vmem>>, vector<16xf32>,
      tpu.vector_store %arg5[%swap3A_33], %broadcast_in_dim3A_3 {strides = array<i32>} : memref<10240xf32, #tpu.memory_space<vmem>>, vector<16xf32>,
      %mul3A_35 = arith.constant 5 : i32
      %mul3A_36 = arith.muli %scan3A_19, %mul3A_35 : i32
      %add3A_37 = arith.constant 2 : i32
      %add3A_38 = arith.addi %mul3A_36, %add3A_37 : i32
      %mul3A_39 = arith.constant 16 : i32
      %mul3A_40 = arith.muli %add3A_38, %mul3A_39 : i32
      %swap3A_41 = arith.index_cast %mul3A_40 : i32 to index
      %swap3A_42 = tpu.vector_load %arg5[%swap3A_41] {strides = array<i32>} : memref<10240xf32, #tpu.memory_space<vmem>>, vector<16xf32>,
      tpu.vector_store %arg5[%swap3A_41], %broadcast_in_dim3A_3 {strides = array<i32>} : memref<10240xf32, #tpu.memory_space<vmem>>, vector<16xf32>,
      %mul3A_43 = arith.constant 5 : i32
      %mul3A_44 = arith.muli %scan3A_19, %mul3A_43 : i32
      %add3A_45 = arith.constant 3 : i32
      %add3A_46 = arith.addi %mul3A_44, %add3A_45 : i32
      %mul3A_47 = arith.constant 16 : i32
      %mul3A_48 = arith.muli %add3A_46, %mul3A_47 : i32
      %swap3A_49 = arith.index_cast %mul3A_48 : i32 to index
      %swap3A_50 = tpu.vector_load %arg5[%swap3A_49] {strides = array<i32>} : memref<10240xf32, #tpu.memory_space<vmem>>, vector<16xf32>,
      tpu.vector_store %arg5[%swap3A_49], %broadcast_in_dim3A_3 {strides = array<i32>} : memref<10240xf32, #tpu.memory_space<vmem>>, vector<16xf32>,
      %mul3A_51 = arith.constant 5 : i32
      %mul3A_52 = arith.muli %scan3A_19, %mul3A_51 : i32
      %add3A_53 = arith.constant 4 : i32
      %add3A_54 = arith.addi %mul3A_52, %add3A_53 : i32
      %mul3A_55 = arith.constant 16 : i32
      %mul3A_56 = arith.muli %add3A_54, %mul3A_55 : i32
      %swap3A_57 = arith.index_cast %mul3A_56 : i32 to index
      %swap3A_58 = tpu.vector_load %arg5[%swap3A_57] {strides = array<i32>} : memref<10240xf32, #tpu.memory_space<vmem>>, vector<16xf32>,
      tpu.vector_store %arg5[%swap3A_57], %broadcast_in_dim3A_3 {strides = array<i32>} : memref<10240xf32, #tpu.memory_space<vmem>>, vector<16xf32>,
    }
    %scan3A_10 = arith.constant 128 : i32
    %scan3A_11 = arith.constant 0 : i32
    %scan3A_12 = arith.constant 0 : i32
    %scan3A_13 = arith.constant 125 : i32
    %scan3A_14 = arith.addi %scan3A_12, %scan3A_13 : i32
    %scan3A_15 = arith.constant 1 : i32
    scf.for %scan3A_19 = %scan3A_12 to %scan3A_14 step %scan3A_15  : i32 {
      %mul3A_20 = arith.constant 5 : i32
      %mul3A_21 = arith.muli %scan3A_19, %mul3A_20 : i32
      %add3A_22 = arith.constant 0 : i32
      %add3A_23 = arith.addi %mul3A_21, %add3A_22 : i32
      %mul3A_24 = arith.constant 16 : i32
      %mul3A_25 = arith.muli %add3A_23, %mul3A_24 : i32
      %get3A = arith.index_cast %mul3A_25 : i32 to index
      %get3A_26 = tpu.vector_load %arg4[%get3A] {strides = array<i32>} : memref<10000xi32, #tpu.memory_space<vmem>>, vector<16xi32>,
      tpu.vector_store_idx %arg5[%get3A_26], %broadcast_in_dim3A_5 {add = true} : memref<10240xf32, #tpu.memory_space<vmem>>[vector<16xi32>], vector<16xf32>,
      %mul3A_27 = arith.constant 5 : i32
      %mul3A_28 = arith.muli %scan3A_19, %mul3A_27 : i32
      %add3A_29 = arith.constant 1 : i32
      %add3A_30 = arith.addi %mul3A_28, %add3A_29 : i32
      %mul3A_31 = arith.constant 16 : i32
      %mul3A_32 = arith.muli %add3A_30, %mul3A_31 : i32
      %get3A_33 = arith.index_cast %mul3A_32 : i32 to index
      %get3A_34 = tpu.vector_load %arg4[%get3A_33] {strides = array<i32>} : memref<10000xi32, #tpu.memory_space<vmem>>, vector<16xi32>,
      tpu.vector_store_idx %arg5[%get3A_34], %broadcast_in_dim3A_5 {add = true} : memref<10240xf32, #tpu.memory_space<vmem>>[vector<16xi32>], vector<16xf32>,
      %mul3A_35 = arith.constant 5 : i32
      %mul3A_36 = arith.muli %scan3A_19, %mul3A_35 : i32
      %add3A_37 = arith.constant 2 : i32
      %add3A_38 = arith.addi %mul3A_36, %add3A_37 : i32
      %mul3A_39 = arith.constant 16 : i32
      %mul3A_40 = arith.muli %add3A_38, %mul3A_39 : i32
      %get3A_41 = arith.index_cast %mul3A_40 : i32 to index
      %get3A_42 = tpu.vector_load %arg4[%get3A_41] {strides = array<i32>} : memref<10000xi32, #tpu.memory_space<vmem>>, vector<16xi32>,
      tpu.vector_store_idx %arg5[%get3A_42], %broadcast_in_dim3A_5 {add = true} : memref<10240xf32, #tpu.memory_space<vmem>>[vector<16xi32>], vector<16xf32>,
      %mul3A_43 = arith.constant 5 : i32
      %mul3A_44 = arith.muli %scan3A_19, %mul3A_43 : i32
      %add3A_45 = arith.constant 3 : i32
      %add3A_46 = arith.addi %mul3A_44, %add3A_45 : i32
      %mul3A_47 = arith.constant 16 : i32
      %mul3A_48 = arith.muli %add3A_46, %mul3A_47 : i32
      %get3A_49 = arith.index_cast %mul3A_48 : i32 to index
      %get3A_50 = tpu.vector_load %arg4[%get3A_49] {strides = array<i32>} : memref<10000xi32, #tpu.memory_space<vmem>>, vector<16xi32>,
      tpu.vector_store_idx %arg5[%get3A_50], %broadcast_in_dim3A_5 {add = true} : memref<10240xf32, #tpu.memory_space<vmem>>[vector<16xi32>], vector<16xf32>,
      %mul3A_51 = arith.constant 5 : i32
      %mul3A_52 = arith.muli %scan3A_19, %mul3A_51 : i32
      %add3A_53 = arith.constant 4 : i32
      %add3A_54 = arith.addi %mul3A_52, %add3A_53 : i32
      %mul3A_55 = arith.constant 16 : i32
      %mul3A_56 = arith.muli %add3A_54, %mul3A_55 : i32
      %get3A_57 = arith.index_cast %mul3A_56 : i32 to index
      %get3A_58 = tpu.vector_load %arg4[%get3A_57] {strides = array<i32>} : memref<10000xi32, #tpu.memory_space<vmem>>, vector<16xi32>,
      tpu.vector_store_idx %arg5[%get3A_58], %broadcast_in_dim3A_5 {add = true} : memref<10240xf32, #tpu.memory_space<vmem>>[vector<16xi32>], vector<16xf32>,
    }
    %scan3A_16 = arith.constant 125 : i32
    %mul3A_17 = arith.constant 10240 : i32
    %mul3A_18 = arith.muli %add3A, %mul3A_17 : i32
    "tpu.region"() ({
      %run_scoped3A = tpu.sem_alloc : memref<!tpu.dma_semaphore, #tpu.memory_space<semaphore_mem>>
      %dma_start3A = tpu.memref_slice %arg3[%mul3A_18] : memref<327680xf32, #tpu.memory_space<hbm>> -> memref<10240xf32, #tpu.memory_space<hbm>>
      %dma_start3A_19 = tpu.memref_slice %arg3[%mul3A_18] : memref<327680xf32, #tpu.memory_space<hbm>> -> memref<10240xf32, #tpu.memory_space<hbm>>
      tpu.enqueue_dma source(%arg5 : memref<10240xf32, #tpu.memory_space<vmem>>) target(%dma_start3A_19 : memref<10240xf32, #tpu.memory_space<hbm>>) target_semaphore(%run_scoped3A : memref<!tpu.dma_semaphore, #tpu.memory_space<semaphore_mem>>)
      %dma_wait3A = tpu.memref_slice %arg3[%mul3A_18] : memref<327680xf32, #tpu.memory_space<hbm>> -> memref<10240xf32, #tpu.memory_space<hbm>>
      %dma_wait3A_20 = tpu.memref_slice %arg3[%mul3A_18] : memref<327680xf32, #tpu.memory_space<hbm>> -> memref<10240xf32, #tpu.memory_space<hbm>>
      tpu.wait_dma2 semaphore(%run_scoped3A : memref<!tpu.dma_semaphore, #tpu.memory_space<semaphore_mem>>) src(%arg5 : memref<10240xf32, #tpu.memory_space<vmem>>) dst(%dma_wait3A_20 : memref<10240xf32, #tpu.memory_space<hbm>>)
      tpu.yield
    }) : () -> ()
    return
  }
}

#map = affine_map<(d0, d1) -> (0, 0)>
#map1 = affine_map<(d0, d1) -> (0)>
#map2 = affine_map<(d0, d1) -> (0, 0, 0)>
module attributes {stable_mosaic.version = 14 : i64} {
  func.func @_agg_kernel(%arg0: i32, %arg1: i32, %arg2: memref<10000x128xf32, #tpu.memory_space<hbm>>, %arg3: memref<320000xi32, #tpu.memory_space<hbm>>, %arg4: memref<320000xi32, #tpu.memory_space<hbm>>, %arg5: memref<2x10240x128xf32, #tpu.memory_space<hbm>>, %arg6: memref<80xi32, #tpu.memory_space<vmem>>, %arg7: memref<80xi32, #tpu.memory_space<vmem>>, %arg8: memref<80xi32, #tpu.memory_space<vmem>>, %arg9: memref<80xi32, #tpu.memory_space<vmem>>, %arg10: memref<80xi32, #tpu.memory_space<vmem>>, %arg11: memref<80xi32, #tpu.memory_space<vmem>>, %arg12: memref<80xi32, #tpu.memory_space<vmem>>, %arg13: memref<80xi32, #tpu.memory_space<vmem>>, %arg14: memref<80x128xf32, #tpu.memory_space<vmem>>, %arg15: memref<80x128xf32, #tpu.memory_space<vmem>>, %arg16: memref<80x128xf32, #tpu.memory_space<vmem>>, %arg17: memref<80x128xf32, #tpu.memory_space<vmem>>, %arg18: memref<10240x128xf32, #tpu.memory_space<vmem_shared>>, %arg19: memref<!tpu.dma_semaphore, #tpu.memory_space<semaphore_mem>>, %arg20: memref<!tpu.dma_semaphore, #tpu.memory_space<semaphore_mem>>, %arg21: memref<!tpu.dma_semaphore, #tpu.memory_space<semaphore_mem>>, %arg22: memref<!tpu.dma_semaphore, #tpu.memory_space<semaphore_mem>>, %arg23: memref<!tpu.dma_semaphore, #tpu.memory_space<semaphore_mem>>, %arg24: memref<!tpu.dma_semaphore, #tpu.memory_space<semaphore_mem>>, %arg25: memref<!tpu.dma_semaphore, #tpu.memory_space<semaphore_mem>>, %arg26: memref<!tpu.dma_semaphore, #tpu.memory_space<semaphore_mem>>, %arg27: memref<!tpu.dma_semaphore, #tpu.memory_space<semaphore_mem>>, %arg28: memref<!tpu.dma_semaphore, #tpu.memory_space<semaphore_mem>>, %arg29: memref<!tpu.dma_semaphore, #tpu.memory_space<semaphore_mem>>, %arg30: memref<!tpu.dma_semaphore, #tpu.memory_space<semaphore_mem>>, %arg31: memref<!tpu.dma_semaphore, #tpu.memory_space<semaphore_mem>>, %arg32: memref<!tpu.dma_semaphore, #tpu.memory_space<semaphore_mem>>, %arg33: memref<!tpu.dma_semaphore, #tpu.memory_space<semaphore_mem>>, %arg34: memref<!tpu.dma_semaphore, #tpu.memory_space<semaphore_mem>>) attributes {dimension_semantics = [#tpu.dimension_semantics<core_parallel>, #tpu.dimension_semantics<subcore_parallel>], iteration_bounds = array<i64: 2, 16>, scalar_prefetch = 0 : i64, scratch_operands = 29 : i64, tpu.core_type = #tpu.core_type<sc_vector_subcore>, window_params = [{transform_indices = #map}, {transform_indices = #map1}, {transform_indices = #map1}, {transform_indices = #map2}]} {
    %mul3A = arith.constant 16 : i32
    %mul3A_0 = arith.muli %arg0, %mul3A : i32
    %add3A = arith.addi %mul3A_0, %arg1 : i32
    %mul3A_1 = arith.constant 10000 : i32
    %mul3A_2 = arith.muli %add3A, %mul3A_1 : i32
    %broadcast_in_dim3A = arith.constant 0.000000e+00 : f32
    %broadcast_in_dim3A_3 = vector.broadcast %broadcast_in_dim3A : f32 to vector<16xf32>
    %scan3A = arith.constant 0 : i32
    %scan3A_4 = arith.constant 0 : i32
    %scan3A_5 = arith.constant 640 : i32
    %scan3A_6 = arith.addi %scan3A_4, %scan3A_5 : i32
    %scan3A_7 = arith.constant 1 : i32
    scf.for %scan3A_87 = %scan3A_4 to %scan3A_6 step %scan3A_7  : i32 {
      %jit3A = arith.constant 8 : i32
      %div3A = arith.divsi %scan3A_87, %jit3A : i32
      %sign3A = arith.constant 0 : i32
      %sign3A_88 = arith.cmpi sgt, %scan3A_87, %sign3A : i32
      %sign3A_89 = arith.extui %sign3A_88 : i1 to i32
      %sign3A_90 = arith.constant 0 : i32
      %sign3A_91 = arith.cmpi slt, %scan3A_87, %sign3A_90 : i32
      %sign3A_92 = arith.extui %sign3A_91 : i1 to i32
      %sign3A_93 = arith.subi %sign3A_89, %sign3A_92 : i32
      %sign3A_94 = arith.constant 0 : i32
      %sign3A_95 = arith.cmpi sgt, %jit3A, %sign3A_94 : i32
      %sign3A_96 = arith.extui %sign3A_95 : i1 to i32
      %sign3A_97 = arith.constant 0 : i32
      %sign3A_98 = arith.cmpi slt, %jit3A, %sign3A_97 : i32
      %sign3A_99 = arith.extui %sign3A_98 : i1 to i32
      %sign3A_100 = arith.subi %sign3A_96, %sign3A_99 : i32
      %ne3A = arith.cmpi ne, %sign3A_93, %sign3A_100 : i32
      %rem3A = arith.remsi %scan3A_87, %jit3A : i32
      %ne3A_101 = arith.constant 0 : i32
      %ne3A_102 = arith.cmpi ne, %rem3A, %ne3A_101 : i32
      %and3A = arith.andi %ne3A, %ne3A_102 : i1
      %sub3A = arith.constant 1 : i32
      %sub3A_103 = arith.subi %div3A, %sub3A : i32
      %select_n3A = arith.select %and3A, %sub3A_103, %div3A : i32
      %jit3A_104 = arith.constant 8 : i32
      %eq3A = arith.constant 0 : i32
      %eq3A_105 = arith.cmpi eq, %jit3A_104, %eq3A : i32
      %jit3A_106 = arith.constant 1 : i32
      %select_n3A_107 = arith.select %eq3A_105, %jit3A_106, %jit3A_104 : i32
      %rem3A_108 = arith.remsi %scan3A_87, %select_n3A_107 : i32
      %ne3A_109 = arith.constant 0 : i32
      %ne3A_110 = arith.cmpi ne, %rem3A_108, %ne3A_109 : i32
      %lt3A = arith.constant 0 : i32
      %lt3A_111 = arith.cmpi slt, %rem3A_108, %lt3A : i32
      %lt3A_112 = arith.constant 0 : i32
      %lt3A_113 = arith.cmpi slt, %select_n3A_107, %lt3A_112 : i32
      %ne3A_114 = arith.xori %lt3A_111, %lt3A_113 : i1
      %and3A_115 = arith.andi %ne3A_114, %ne3A_110 : i1
      %add3A_116 = arith.addi %rem3A_108, %select_n3A_107 : i32
      %select_n3A_117 = arith.select %and3A_115, %add3A_116, %rem3A_108 : i32
      %mul3A_118 = arith.constant 16 : i32
      %mul3A_119 = arith.muli %select_n3A_117, %mul3A_118 : i32
      %swap3A = arith.index_cast %select_n3A : i32 to index
      %swap3A_120 = arith.index_cast %mul3A_119 : i32 to index
      %swap3A_121 = tpu.vector_load %arg14[%swap3A, %swap3A_120] {strides = array<i32>} : memref<80x128xf32, #tpu.memory_space<vmem>>, vector<16xf32>,
      tpu.vector_store %arg14[%swap3A, %swap3A_120], %broadcast_in_dim3A_3 {strides = array<i32>} : memref<80x128xf32, #tpu.memory_space<vmem>>, vector<16xf32>,
    }
    %scan3A_8 = arith.constant 640 : i32
    %mul3A_9 = arith.constant 640 : i32
    %mul3A_10 = arith.muli %arg1, %mul3A_9 : i32
    %add3A_11 = arith.constant 0 : i32
    %add3A_12 = arith.addi %mul3A_10, %add3A_11 : i32
    "tpu.region"() ({
      %run_scoped3A = tpu.sem_alloc : memref<!tpu.dma_semaphore, #tpu.memory_space<semaphore_mem>>
      %dma_start3A_87 = arith.constant 0 : i32
      %dma_start3A_88 = arith.constant 0 : i32
      %dma_start3A_89 = tpu.memref_slice %arg14[%dma_start3A_87, %dma_start3A_88] : memref<80x128xf32, #tpu.memory_space<vmem>> -> memref<80x128xf32, #tpu.memory_space<vmem>>
      %dma_start3A_90 = arith.constant 0 : i32
      %dma_start3A_91 = tpu.memref_slice %arg18[%add3A_12, %dma_start3A_90] : memref<10240x128xf32, #tpu.memory_space<vmem_shared>> -> memref<80x128xf32, #tpu.memory_space<vmem_shared>>
      %dma_start3A_92 = arith.constant 0 : i32
      %dma_start3A_93 = tpu.memref_slice %arg18[%add3A_12, %dma_start3A_92] : memref<10240x128xf32, #tpu.memory_space<vmem_shared>> -> memref<80x128xf32, #tpu.memory_space<vmem_shared>>
      %dma_start3A_94 = arith.constant 0 : i32
      %dma_start3A_95 = arith.constant 0 : i32
      %dma_start3A_96 = tpu.memref_slice %arg14[%dma_start3A_94, %dma_start3A_95] : memref<80x128xf32, #tpu.memory_space<vmem>> -> memref<80x128xf32, #tpu.memory_space<vmem>>
      tpu.enqueue_dma source(%dma_start3A_96 : memref<80x128xf32, #tpu.memory_space<vmem>>) target(%dma_start3A_93 : memref<80x128xf32, #tpu.memory_space<vmem_shared>>) target_semaphore(%run_scoped3A : memref<!tpu.dma_semaphore, #tpu.memory_space<semaphore_mem>>)
      %dma_wait3A = arith.constant 0 : i32
      %dma_wait3A_97 = arith.constant 0 : i32
      %dma_wait3A_98 = tpu.memref_slice %arg14[%dma_wait3A, %dma_wait3A_97] : memref<80x128xf32, #tpu.memory_space<vmem>> -> memref<80x128xf32, #tpu.memory_space<vmem>>
      %dma_wait3A_99 = arith.constant 0 : i32
      %dma_wait3A_100 = tpu.memref_slice %arg18[%add3A_12, %dma_wait3A_99] : memref<10240x128xf32, #tpu.memory_space<vmem_shared>> -> memref<80x128xf32, #tpu.memory_space<vmem_shared>>
      %dma_wait3A_101 = arith.constant 0 : i32
      %dma_wait3A_102 = tpu.memref_slice %arg18[%add3A_12, %dma_wait3A_101] : memref<10240x128xf32, #tpu.memory_space<vmem_shared>> -> memref<80x128xf32, #tpu.memory_space<vmem_shared>>
      %dma_wait3A_103 = arith.constant 0 : i32
      %dma_wait3A_104 = arith.constant 0 : i32
      %dma_wait3A_105 = tpu.memref_slice %arg14[%dma_wait3A_103, %dma_wait3A_104] : memref<80x128xf32, #tpu.memory_space<vmem>> -> memref<80x128xf32, #tpu.memory_space<vmem>>
      tpu.wait_dma2 semaphore(%run_scoped3A : memref<!tpu.dma_semaphore, #tpu.memory_space<semaphore_mem>>) src(%dma_wait3A_105 : memref<80x128xf32, #tpu.memory_space<vmem>>) dst(%dma_wait3A_102 : memref<80x128xf32, #tpu.memory_space<vmem_shared>>)
      tpu.yield
    }) : () -> ()
    %mul3A_13 = arith.constant 640 : i32
    %mul3A_14 = arith.muli %arg1, %mul3A_13 : i32
    %add3A_15 = arith.constant 80 : i32
    %add3A_16 = arith.addi %mul3A_14, %add3A_15 : i32
    "tpu.region"() ({
      %run_scoped3A = tpu.sem_alloc : memref<!tpu.dma_semaphore, #tpu.memory_space<semaphore_mem>>
      %dma_start3A_87 = arith.constant 0 : i32
      %dma_start3A_88 = arith.constant 0 : i32
      %dma_start3A_89 = tpu.memref_slice %arg14[%dma_start3A_87, %dma_start3A_88] : memref<80x128xf32, #tpu.memory_space<vmem>> -> memref<80x128xf32, #tpu.memory_space<vmem>>
      %dma_start3A_90 = arith.constant 0 : i32
      %dma_start3A_91 = tpu.memref_slice %arg18[%add3A_16, %dma_start3A_90] : memref<10240x128xf32, #tpu.memory_space<vmem_shared>> -> memref<80x128xf32, #tpu.memory_space<vmem_shared>>
      %dma_start3A_92 = arith.constant 0 : i32
      %dma_start3A_93 = tpu.memref_slice %arg18[%add3A_16, %dma_start3A_92] : memref<10240x128xf32, #tpu.memory_space<vmem_shared>> -> memref<80x128xf32, #tpu.memory_space<vmem_shared>>
      %dma_start3A_94 = arith.constant 0 : i32
      %dma_start3A_95 = arith.constant 0 : i32
      %dma_start3A_96 = tpu.memref_slice %arg14[%dma_start3A_94, %dma_start3A_95] : memref<80x128xf32, #tpu.memory_space<vmem>> -> memref<80x128xf32, #tpu.memory_space<vmem>>
      tpu.enqueue_dma source(%dma_start3A_96 : memref<80x128xf32, #tpu.memory_space<vmem>>) target(%dma_start3A_93 : memref<80x128xf32, #tpu.memory_space<vmem_shared>>) target_semaphore(%run_scoped3A : memref<!tpu.dma_semaphore, #tpu.memory_space<semaphore_mem>>)
      %dma_wait3A = arith.constant 0 : i32
      %dma_wait3A_97 = arith.constant 0 : i32
      %dma_wait3A_98 = tpu.memref_slice %arg14[%dma_wait3A, %dma_wait3A_97] : memref<80x128xf32, #tpu.memory_space<vmem>> -> memref<80x128xf32, #tpu.memory_space<vmem>>
      %dma_wait3A_99 = arith.constant 0 : i32
      %dma_wait3A_100 = tpu.memref_slice %arg18[%add3A_16, %dma_wait3A_99] : memref<10240x128xf32, #tpu.memory_space<vmem_shared>> -> memref<80x128xf32, #tpu.memory_space<vmem_shared>>
      %dma_wait3A_101 = arith.constant 0 : i32
      %dma_wait3A_102 = tpu.memref_slice %arg18[%add3A_16, %dma_wait3A_101] : memref<10240x128xf32, #tpu.memory_space<vmem_shared>> -> memref<80x128xf32, #tpu.memory_space<vmem_shared>>
      %dma_wait3A_103 = arith.constant 0 : i32
      %dma_wait3A_104 = arith.constant 0 : i32
      %dma_wait3A_105 = tpu.memref_slice %arg14[%dma_wait3A_103, %dma_wait3A_104] : memref<80x128xf32, #tpu.memory_space<vmem>> -> memref<80x128xf32, #tpu.memory_space<vmem>>
      tpu.wait_dma2 semaphore(%run_scoped3A : memref<!tpu.dma_semaphore, #tpu.memory_space<semaphore_mem>>) src(%dma_wait3A_105 : memref<80x128xf32, #tpu.memory_space<vmem>>) dst(%dma_wait3A_102 : memref<80x128xf32, #tpu.memory_space<vmem_shared>>)
      tpu.yield
    }) : () -> ()
    %mul3A_17 = arith.constant 640 : i32
    %mul3A_18 = arith.muli %arg1, %mul3A_17 : i32
    %add3A_19 = arith.constant 160 : i32
    %add3A_20 = arith.addi %mul3A_18, %add3A_19 : i32
    "tpu.region"() ({
      %run_scoped3A = tpu.sem_alloc : memref<!tpu.dma_semaphore, #tpu.memory_space<semaphore_mem>>
      %dma_start3A_87 = arith.constant 0 : i32
      %dma_start3A_88 = arith.constant 0 : i32
      %dma_start3A_89 = tpu.memref_slice %arg14[%dma_start3A_87, %dma_start3A_88] : memref<80x128xf32, #tpu.memory_space<vmem>> -> memref<80x128xf32, #tpu.memory_space<vmem>>
      %dma_start3A_90 = arith.constant 0 : i32
      %dma_start3A_91 = tpu.memref_slice %arg18[%add3A_20, %dma_start3A_90] : memref<10240x128xf32, #tpu.memory_space<vmem_shared>> -> memref<80x128xf32, #tpu.memory_space<vmem_shared>>
      %dma_start3A_92 = arith.constant 0 : i32
      %dma_start3A_93 = tpu.memref_slice %arg18[%add3A_20, %dma_start3A_92] : memref<10240x128xf32, #tpu.memory_space<vmem_shared>> -> memref<80x128xf32, #tpu.memory_space<vmem_shared>>
      %dma_start3A_94 = arith.constant 0 : i32
      %dma_start3A_95 = arith.constant 0 : i32
      %dma_start3A_96 = tpu.memref_slice %arg14[%dma_start3A_94, %dma_start3A_95] : memref<80x128xf32, #tpu.memory_space<vmem>> -> memref<80x128xf32, #tpu.memory_space<vmem>>
      tpu.enqueue_dma source(%dma_start3A_96 : memref<80x128xf32, #tpu.memory_space<vmem>>) target(%dma_start3A_93 : memref<80x128xf32, #tpu.memory_space<vmem_shared>>) target_semaphore(%run_scoped3A : memref<!tpu.dma_semaphore, #tpu.memory_space<semaphore_mem>>)
      %dma_wait3A = arith.constant 0 : i32
      %dma_wait3A_97 = arith.constant 0 : i32
      %dma_wait3A_98 = tpu.memref_slice %arg14[%dma_wait3A, %dma_wait3A_97] : memref<80x128xf32, #tpu.memory_space<vmem>> -> memref<80x128xf32, #tpu.memory_space<vmem>>
      %dma_wait3A_99 = arith.constant 0 : i32
      %dma_wait3A_100 = tpu.memref_slice %arg18[%add3A_20, %dma_wait3A_99] : memref<10240x128xf32, #tpu.memory_space<vmem_shared>> -> memref<80x128xf32, #tpu.memory_space<vmem_shared>>
      %dma_wait3A_101 = arith.constant 0 : i32
      %dma_wait3A_102 = tpu.memref_slice %arg18[%add3A_20, %dma_wait3A_101] : memref<10240x128xf32, #tpu.memory_space<vmem_shared>> -> memref<80x128xf32, #tpu.memory_space<vmem_shared>>
      %dma_wait3A_103 = arith.constant 0 : i32
      %dma_wait3A_104 = arith.constant 0 : i32
      %dma_wait3A_105 = tpu.memref_slice %arg14[%dma_wait3A_103, %dma_wait3A_104] : memref<80x128xf32, #tpu.memory_space<vmem>> -> memref<80x128xf32, #tpu.memory_space<vmem>>
      tpu.wait_dma2 semaphore(%run_scoped3A : memref<!tpu.dma_semaphore, #tpu.memory_space<semaphore_mem>>) src(%dma_wait3A_105 : memref<80x128xf32, #tpu.memory_space<vmem>>) dst(%dma_wait3A_102 : memref<80x128xf32, #tpu.memory_space<vmem_shared>>)
      tpu.yield
    }) : () -> ()
    %mul3A_21 = arith.constant 640 : i32
    %mul3A_22 = arith.muli %arg1, %mul3A_21 : i32
    %add3A_23 = arith.constant 240 : i32
    %add3A_24 = arith.addi %mul3A_22, %add3A_23 : i32
    "tpu.region"() ({
      %run_scoped3A = tpu.sem_alloc : memref<!tpu.dma_semaphore, #tpu.memory_space<semaphore_mem>>
      %dma_start3A_87 = arith.constant 0 : i32
      %dma_start3A_88 = arith.constant 0 : i32
      %dma_start3A_89 = tpu.memref_slice %arg14[%dma_start3A_87, %dma_start3A_88] : memref<80x128xf32, #tpu.memory_space<vmem>> -> memref<80x128xf32, #tpu.memory_space<vmem>>
      %dma_start3A_90 = arith.constant 0 : i32
      %dma_start3A_91 = tpu.memref_slice %arg18[%add3A_24, %dma_start3A_90] : memref<10240x128xf32, #tpu.memory_space<vmem_shared>> -> memref<80x128xf32, #tpu.memory_space<vmem_shared>>
      %dma_start3A_92 = arith.constant 0 : i32
      %dma_start3A_93 = tpu.memref_slice %arg18[%add3A_24, %dma_start3A_92] : memref<10240x128xf32, #tpu.memory_space<vmem_shared>> -> memref<80x128xf32, #tpu.memory_space<vmem_shared>>
      %dma_start3A_94 = arith.constant 0 : i32
      %dma_start3A_95 = arith.constant 0 : i32
      %dma_start3A_96 = tpu.memref_slice %arg14[%dma_start3A_94, %dma_start3A_95] : memref<80x128xf32, #tpu.memory_space<vmem>> -> memref<80x128xf32, #tpu.memory_space<vmem>>
      tpu.enqueue_dma source(%dma_start3A_96 : memref<80x128xf32, #tpu.memory_space<vmem>>) target(%dma_start3A_93 : memref<80x128xf32, #tpu.memory_space<vmem_shared>>) target_semaphore(%run_scoped3A : memref<!tpu.dma_semaphore, #tpu.memory_space<semaphore_mem>>)
      %dma_wait3A = arith.constant 0 : i32
      %dma_wait3A_97 = arith.constant 0 : i32
      %dma_wait3A_98 = tpu.memref_slice %arg14[%dma_wait3A, %dma_wait3A_97] : memref<80x128xf32, #tpu.memory_space<vmem>> -> memref<80x128xf32, #tpu.memory_space<vmem>>
      %dma_wait3A_99 = arith.constant 0 : i32
      %dma_wait3A_100 = tpu.memref_slice %arg18[%add3A_24, %dma_wait3A_99] : memref<10240x128xf32, #tpu.memory_space<vmem_shared>> -> memref<80x128xf32, #tpu.memory_space<vmem_shared>>
      %dma_wait3A_101 = arith.constant 0 : i32
      %dma_wait3A_102 = tpu.memref_slice %arg18[%add3A_24, %dma_wait3A_101] : memref<10240x128xf32, #tpu.memory_space<vmem_shared>> -> memref<80x128xf32, #tpu.memory_space<vmem_shared>>
      %dma_wait3A_103 = arith.constant 0 : i32
      %dma_wait3A_104 = arith.constant 0 : i32
      %dma_wait3A_105 = tpu.memref_slice %arg14[%dma_wait3A_103, %dma_wait3A_104] : memref<80x128xf32, #tpu.memory_space<vmem>> -> memref<80x128xf32, #tpu.memory_space<vmem>>
      tpu.wait_dma2 semaphore(%run_scoped3A : memref<!tpu.dma_semaphore, #tpu.memory_space<semaphore_mem>>) src(%dma_wait3A_105 : memref<80x128xf32, #tpu.memory_space<vmem>>) dst(%dma_wait3A_102 : memref<80x128xf32, #tpu.memory_space<vmem_shared>>)
      tpu.yield
    }) : () -> ()
    %mul3A_25 = arith.constant 640 : i32
    %mul3A_26 = arith.muli %arg1, %mul3A_25 : i32
    %add3A_27 = arith.constant 320 : i32
    %add3A_28 = arith.addi %mul3A_26, %add3A_27 : i32
    "tpu.region"() ({
      %run_scoped3A = tpu.sem_alloc : memref<!tpu.dma_semaphore, #tpu.memory_space<semaphore_mem>>
      %dma_start3A_87 = arith.constant 0 : i32
      %dma_start3A_88 = arith.constant 0 : i32
      %dma_start3A_89 = tpu.memref_slice %arg14[%dma_start3A_87, %dma_start3A_88] : memref<80x128xf32, #tpu.memory_space<vmem>> -> memref<80x128xf32, #tpu.memory_space<vmem>>
      %dma_start3A_90 = arith.constant 0 : i32
      %dma_start3A_91 = tpu.memref_slice %arg18[%add3A_28, %dma_start3A_90] : memref<10240x128xf32, #tpu.memory_space<vmem_shared>> -> memref<80x128xf32, #tpu.memory_space<vmem_shared>>
      %dma_start3A_92 = arith.constant 0 : i32
      %dma_start3A_93 = tpu.memref_slice %arg18[%add3A_28, %dma_start3A_92] : memref<10240x128xf32, #tpu.memory_space<vmem_shared>> -> memref<80x128xf32, #tpu.memory_space<vmem_shared>>
      %dma_start3A_94 = arith.constant 0 : i32
      %dma_start3A_95 = arith.constant 0 : i32
      %dma_start3A_96 = tpu.memref_slice %arg14[%dma_start3A_94, %dma_start3A_95] : memref<80x128xf32, #tpu.memory_space<vmem>> -> memref<80x128xf32, #tpu.memory_space<vmem>>
      tpu.enqueue_dma source(%dma_start3A_96 : memref<80x128xf32, #tpu.memory_space<vmem>>) target(%dma_start3A_93 : memref<80x128xf32, #tpu.memory_space<vmem_shared>>) target_semaphore(%run_scoped3A : memref<!tpu.dma_semaphore, #tpu.memory_space<semaphore_mem>>)
      %dma_wait3A = arith.constant 0 : i32
      %dma_wait3A_97 = arith.constant 0 : i32
      %dma_wait3A_98 = tpu.memref_slice %arg14[%dma_wait3A, %dma_wait3A_97] : memref<80x128xf32, #tpu.memory_space<vmem>> -> memref<80x128xf32, #tpu.memory_space<vmem>>
      %dma_wait3A_99 = arith.constant 0 : i32
      %dma_wait3A_100 = tpu.memref_slice %arg18[%add3A_28, %dma_wait3A_99] : memref<10240x128xf32, #tpu.memory_space<vmem_shared>> -> memref<80x128xf32, #tpu.memory_space<vmem_shared>>
      %dma_wait3A_101 = arith.constant 0 : i32
      %dma_wait3A_102 = tpu.memref_slice %arg18[%add3A_28, %dma_wait3A_101] : memref<10240x128xf32, #tpu.memory_space<vmem_shared>> -> memref<80x128xf32, #tpu.memory_space<vmem_shared>>
      %dma_wait3A_103 = arith.constant 0 : i32
      %dma_wait3A_104 = arith.constant 0 : i32
      %dma_wait3A_105 = tpu.memref_slice %arg14[%dma_wait3A_103, %dma_wait3A_104] : memref<80x128xf32, #tpu.memory_space<vmem>> -> memref<80x128xf32, #tpu.memory_space<vmem>>
      tpu.wait_dma2 semaphore(%run_scoped3A : memref<!tpu.dma_semaphore, #tpu.memory_space<semaphore_mem>>) src(%dma_wait3A_105 : memref<80x128xf32, #tpu.memory_space<vmem>>) dst(%dma_wait3A_102 : memref<80x128xf32, #tpu.memory_space<vmem_shared>>)
      tpu.yield
    }) : () -> ()
    %mul3A_29 = arith.constant 640 : i32
    %mul3A_30 = arith.muli %arg1, %mul3A_29 : i32
    %add3A_31 = arith.constant 400 : i32
    %add3A_32 = arith.addi %mul3A_30, %add3A_31 : i32
    "tpu.region"() ({
      %run_scoped3A = tpu.sem_alloc : memref<!tpu.dma_semaphore, #tpu.memory_space<semaphore_mem>>
      %dma_start3A_87 = arith.constant 0 : i32
      %dma_start3A_88 = arith.constant 0 : i32
      %dma_start3A_89 = tpu.memref_slice %arg14[%dma_start3A_87, %dma_start3A_88] : memref<80x128xf32, #tpu.memory_space<vmem>> -> memref<80x128xf32, #tpu.memory_space<vmem>>
      %dma_start3A_90 = arith.constant 0 : i32
      %dma_start3A_91 = tpu.memref_slice %arg18[%add3A_32, %dma_start3A_90] : memref<10240x128xf32, #tpu.memory_space<vmem_shared>> -> memref<80x128xf32, #tpu.memory_space<vmem_shared>>
      %dma_start3A_92 = arith.constant 0 : i32
      %dma_start3A_93 = tpu.memref_slice %arg18[%add3A_32, %dma_start3A_92] : memref<10240x128xf32, #tpu.memory_space<vmem_shared>> -> memref<80x128xf32, #tpu.memory_space<vmem_shared>>
      %dma_start3A_94 = arith.constant 0 : i32
      %dma_start3A_95 = arith.constant 0 : i32
      %dma_start3A_96 = tpu.memref_slice %arg14[%dma_start3A_94, %dma_start3A_95] : memref<80x128xf32, #tpu.memory_space<vmem>> -> memref<80x128xf32, #tpu.memory_space<vmem>>
      tpu.enqueue_dma source(%dma_start3A_96 : memref<80x128xf32, #tpu.memory_space<vmem>>) target(%dma_start3A_93 : memref<80x128xf32, #tpu.memory_space<vmem_shared>>) target_semaphore(%run_scoped3A : memref<!tpu.dma_semaphore, #tpu.memory_space<semaphore_mem>>)
      %dma_wait3A = arith.constant 0 : i32
      %dma_wait3A_97 = arith.constant 0 : i32
      %dma_wait3A_98 = tpu.memref_slice %arg14[%dma_wait3A, %dma_wait3A_97] : memref<80x128xf32, #tpu.memory_space<vmem>> -> memref<80x128xf32, #tpu.memory_space<vmem>>
      %dma_wait3A_99 = arith.constant 0 : i32
      %dma_wait3A_100 = tpu.memref_slice %arg18[%add3A_32, %dma_wait3A_99] : memref<10240x128xf32, #tpu.memory_space<vmem_shared>> -> memref<80x128xf32, #tpu.memory_space<vmem_shared>>
      %dma_wait3A_101 = arith.constant 0 : i32
      %dma_wait3A_102 = tpu.memref_slice %arg18[%add3A_32, %dma_wait3A_101] : memref<10240x128xf32, #tpu.memory_space<vmem_shared>> -> memref<80x128xf32, #tpu.memory_space<vmem_shared>>
      %dma_wait3A_103 = arith.constant 0 : i32
      %dma_wait3A_104 = arith.constant 0 : i32
      %dma_wait3A_105 = tpu.memref_slice %arg14[%dma_wait3A_103, %dma_wait3A_104] : memref<80x128xf32, #tpu.memory_space<vmem>> -> memref<80x128xf32, #tpu.memory_space<vmem>>
      tpu.wait_dma2 semaphore(%run_scoped3A : memref<!tpu.dma_semaphore, #tpu.memory_space<semaphore_mem>>) src(%dma_wait3A_105 : memref<80x128xf32, #tpu.memory_space<vmem>>) dst(%dma_wait3A_102 : memref<80x128xf32, #tpu.memory_space<vmem_shared>>)
      tpu.yield
    }) : () -> ()
    %mul3A_33 = arith.constant 640 : i32
    %mul3A_34 = arith.muli %arg1, %mul3A_33 : i32
    %add3A_35 = arith.constant 480 : i32
    %add3A_36 = arith.addi %mul3A_34, %add3A_35 : i32
    "tpu.region"() ({
      %run_scoped3A = tpu.sem_alloc : memref<!tpu.dma_semaphore, #tpu.memory_space<semaphore_mem>>
      %dma_start3A_87 = arith.constant 0 : i32
      %dma_start3A_88 = arith.constant 0 : i32
      %dma_start3A_89 = tpu.memref_slice %arg14[%dma_start3A_87, %dma_start3A_88] : memref<80x128xf32, #tpu.memory_space<vmem>> -> memref<80x128xf32, #tpu.memory_space<vmem>>
      %dma_start3A_90 = arith.constant 0 : i32
      %dma_start3A_91 = tpu.memref_slice %arg18[%add3A_36, %dma_start3A_90] : memref<10240x128xf32, #tpu.memory_space<vmem_shared>> -> memref<80x128xf32, #tpu.memory_space<vmem_shared>>
      %dma_start3A_92 = arith.constant 0 : i32
      %dma_start3A_93 = tpu.memref_slice %arg18[%add3A_36, %dma_start3A_92] : memref<10240x128xf32, #tpu.memory_space<vmem_shared>> -> memref<80x128xf32, #tpu.memory_space<vmem_shared>>
      %dma_start3A_94 = arith.constant 0 : i32
      %dma_start3A_95 = arith.constant 0 : i32
      %dma_start3A_96 = tpu.memref_slice %arg14[%dma_start3A_94, %dma_start3A_95] : memref<80x128xf32, #tpu.memory_space<vmem>> -> memref<80x128xf32, #tpu.memory_space<vmem>>
      tpu.enqueue_dma source(%dma_start3A_96 : memref<80x128xf32, #tpu.memory_space<vmem>>) target(%dma_start3A_93 : memref<80x128xf32, #tpu.memory_space<vmem_shared>>) target_semaphore(%run_scoped3A : memref<!tpu.dma_semaphore, #tpu.memory_space<semaphore_mem>>)
      %dma_wait3A = arith.constant 0 : i32
      %dma_wait3A_97 = arith.constant 0 : i32
      %dma_wait3A_98 = tpu.memref_slice %arg14[%dma_wait3A, %dma_wait3A_97] : memref<80x128xf32, #tpu.memory_space<vmem>> -> memref<80x128xf32, #tpu.memory_space<vmem>>
      %dma_wait3A_99 = arith.constant 0 : i32
      %dma_wait3A_100 = tpu.memref_slice %arg18[%add3A_36, %dma_wait3A_99] : memref<10240x128xf32, #tpu.memory_space<vmem_shared>> -> memref<80x128xf32, #tpu.memory_space<vmem_shared>>
      %dma_wait3A_101 = arith.constant 0 : i32
      %dma_wait3A_102 = tpu.memref_slice %arg18[%add3A_36, %dma_wait3A_101] : memref<10240x128xf32, #tpu.memory_space<vmem_shared>> -> memref<80x128xf32, #tpu.memory_space<vmem_shared>>
      %dma_wait3A_103 = arith.constant 0 : i32
      %dma_wait3A_104 = arith.constant 0 : i32
      %dma_wait3A_105 = tpu.memref_slice %arg14[%dma_wait3A_103, %dma_wait3A_104] : memref<80x128xf32, #tpu.memory_space<vmem>> -> memref<80x128xf32, #tpu.memory_space<vmem>>
      tpu.wait_dma2 semaphore(%run_scoped3A : memref<!tpu.dma_semaphore, #tpu.memory_space<semaphore_mem>>) src(%dma_wait3A_105 : memref<80x128xf32, #tpu.memory_space<vmem>>) dst(%dma_wait3A_102 : memref<80x128xf32, #tpu.memory_space<vmem_shared>>)
      tpu.yield
    }) : () -> ()
    %mul3A_37 = arith.constant 640 : i32
    %mul3A_38 = arith.muli %arg1, %mul3A_37 : i32
    %add3A_39 = arith.constant 560 : i32
    %add3A_40 = arith.addi %mul3A_38, %add3A_39 : i32
    "tpu.region"() ({
      %run_scoped3A = tpu.sem_alloc : memref<!tpu.dma_semaphore, #tpu.memory_space<semaphore_mem>>
      %dma_start3A_87 = arith.constant 0 : i32
      %dma_start3A_88 = arith.constant 0 : i32
      %dma_start3A_89 = tpu.memref_slice %arg14[%dma_start3A_87, %dma_start3A_88] : memref<80x128xf32, #tpu.memory_space<vmem>> -> memref<80x128xf32, #tpu.memory_space<vmem>>
      %dma_start3A_90 = arith.constant 0 : i32
      %dma_start3A_91 = tpu.memref_slice %arg18[%add3A_40, %dma_start3A_90] : memref<10240x128xf32, #tpu.memory_space<vmem_shared>> -> memref<80x128xf32, #tpu.memory_space<vmem_shared>>
      %dma_start3A_92 = arith.constant 0 : i32
      %dma_start3A_93 = tpu.memref_slice %arg18[%add3A_40, %dma_start3A_92] : memref<10240x128xf32, #tpu.memory_space<vmem_shared>> -> memref<80x128xf32, #tpu.memory_space<vmem_shared>>
      %dma_start3A_94 = arith.constant 0 : i32
      %dma_start3A_95 = arith.constant 0 : i32
      %dma_start3A_96 = tpu.memref_slice %arg14[%dma_start3A_94, %dma_start3A_95] : memref<80x128xf32, #tpu.memory_space<vmem>> -> memref<80x128xf32, #tpu.memory_space<vmem>>
      tpu.enqueue_dma source(%dma_start3A_96 : memref<80x128xf32, #tpu.memory_space<vmem>>) target(%dma_start3A_93 : memref<80x128xf32, #tpu.memory_space<vmem_shared>>) target_semaphore(%run_scoped3A : memref<!tpu.dma_semaphore, #tpu.memory_space<semaphore_mem>>)
      %dma_wait3A = arith.constant 0 : i32
      %dma_wait3A_97 = arith.constant 0 : i32
      %dma_wait3A_98 = tpu.memref_slice %arg14[%dma_wait3A, %dma_wait3A_97] : memref<80x128xf32, #tpu.memory_space<vmem>> -> memref<80x128xf32, #tpu.memory_space<vmem>>
      %dma_wait3A_99 = arith.constant 0 : i32
      %dma_wait3A_100 = tpu.memref_slice %arg18[%add3A_40, %dma_wait3A_99] : memref<10240x128xf32, #tpu.memory_space<vmem_shared>> -> memref<80x128xf32, #tpu.memory_space<vmem_shared>>
      %dma_wait3A_101 = arith.constant 0 : i32
      %dma_wait3A_102 = tpu.memref_slice %arg18[%add3A_40, %dma_wait3A_101] : memref<10240x128xf32, #tpu.memory_space<vmem_shared>> -> memref<80x128xf32, #tpu.memory_space<vmem_shared>>
      %dma_wait3A_103 = arith.constant 0 : i32
      %dma_wait3A_104 = arith.constant 0 : i32
      %dma_wait3A_105 = tpu.memref_slice %arg14[%dma_wait3A_103, %dma_wait3A_104] : memref<80x128xf32, #tpu.memory_space<vmem>> -> memref<80x128xf32, #tpu.memory_space<vmem>>
      tpu.wait_dma2 semaphore(%run_scoped3A : memref<!tpu.dma_semaphore, #tpu.memory_space<semaphore_mem>>) src(%dma_wait3A_105 : memref<80x128xf32, #tpu.memory_space<vmem>>) dst(%dma_wait3A_102 : memref<80x128xf32, #tpu.memory_space<vmem_shared>>)
      tpu.yield
    }) : () -> ()
    %barrier3A = arith.constant 0 : index
    tpu.barrier barrier_id(%barrier3A)
    %add3A_41 = arith.constant 0 : i32
    %add3A_42 = arith.addi %mul3A_2, %add3A_41 : i32
    %dma_start3A = tpu.memref_slice %arg3[%add3A_42] : memref<320000xi32, #tpu.memory_space<hbm>> -> memref<80xi32, #tpu.memory_space<hbm>>
    %dma_start3A_43 = tpu.memref_slice %arg3[%add3A_42] : memref<320000xi32, #tpu.memory_space<hbm>> -> memref<80xi32, #tpu.memory_space<hbm>>
    tpu.enqueue_dma source(%dma_start3A_43 : memref<80xi32, #tpu.memory_space<hbm>>) target(%arg6 : memref<80xi32, #tpu.memory_space<vmem>>) target_semaphore(%arg19 : memref<!tpu.dma_semaphore, #tpu.memory_space<semaphore_mem>>)
    %add3A_44 = arith.constant 80 : i32
    %add3A_45 = arith.addi %mul3A_2, %add3A_44 : i32
    %dma_start3A_46 = tpu.memref_slice %arg3[%add3A_45] : memref<320000xi32, #tpu.memory_space<hbm>> -> memref<80xi32, #tpu.memory_space<hbm>>
    %dma_start3A_47 = tpu.memref_slice %arg3[%add3A_45] : memref<320000xi32, #tpu.memory_space<hbm>> -> memref<80xi32, #tpu.memory_space<hbm>>
    tpu.enqueue_dma source(%dma_start3A_47 : memref<80xi32, #tpu.memory_space<hbm>>) target(%arg7 : memref<80xi32, #tpu.memory_space<vmem>>) target_semaphore(%arg20 : memref<!tpu.dma_semaphore, #tpu.memory_space<semaphore_mem>>)
    %scan3A_48 = arith.constant 0 : i32
    %scan3A_49 = arith.constant 0 : i32
    %scan3A_50 = arith.constant 33 : i32
    %scan3A_51 = arith.addi %scan3A_49, %scan3A_50 : i32
    %scan3A_52 = arith.constant 1 : i32
    scf.for %scan3A_87 = %scan3A_49 to %scan3A_51 step %scan3A_52  : i32 {
      %mul3A_88 = arith.constant 4 : i32
      %mul3A_89 = arith.muli %scan3A_87, %mul3A_88 : i32
      %add3A_90 = arith.constant 0 : i32
      %add3A_91 = arith.addi %mul3A_89, %add3A_90 : i32
      %ge3A = arith.constant 4 : i32
      %ge3A_92 = arith.cmpi sge, %add3A_91, %ge3A : i32
      %lt3A = arith.constant 129 : i32
      %lt3A_93 = arith.cmpi slt, %add3A_91, %lt3A : i32
      %and3A = arith.andi %ge3A_92, %lt3A_93 : i1
      %convert_element_type3A = arith.extui %and3A : i1 to i32
      %cond3A = arith.constant 0 : i32
      %cond3A_94 = arith.cmpi ne, %convert_element_type3A, %cond3A : i32
      scf.if %cond3A_94 {
        %dma_wait3A = arith.constant 0 : i32
        %dma_wait3A_231 = arith.constant 0 : i32
        %dma_wait3A_232 = tpu.memref_slice %arg18[%dma_wait3A, %dma_wait3A_231] : memref<10240x128xf32, #tpu.memory_space<vmem_shared>> -> memref<10240x128xf32, #tpu.memory_space<vmem_shared>>
        tpu.wait_indirect_dma semaphore(%arg31 : memref<!tpu.dma_semaphore, #tpu.memory_space<semaphore_mem>>) src(%arg14 : memref<80x128xf32, #tpu.memory_space<vmem>>) dst(%dma_wait3A_232 : memref<10240x128xf32, #tpu.memory_space<vmem_shared>>)
      } else {
      }
      %lt3A_95 = arith.constant 125 : i32
      %lt3A_96 = arith.cmpi slt, %add3A_91, %lt3A_95 : i32
      %convert_element_type3A_97 = arith.extui %lt3A_96 : i1 to i32
      %cond3A_98 = arith.constant 0 : i32
      %cond3A_99 = arith.cmpi ne, %convert_element_type3A_97, %cond3A_98 : i32
      scf.if %cond3A_99 {
        %mul3A_231 = arith.constant 80 : i32
        %mul3A_232 = arith.muli %add3A_91, %mul3A_231 : i32
        %add3A_233 = arith.addi %mul3A_2, %mul3A_232 : i32
        %dma_start3A_234 = tpu.memref_slice %arg4[%add3A_233] : memref<320000xi32, #tpu.memory_space<hbm>> -> memref<80xi32, #tpu.memory_space<hbm>>
        %dma_start3A_235 = tpu.memref_slice %arg4[%add3A_233] : memref<320000xi32, #tpu.memory_space<hbm>> -> memref<80xi32, #tpu.memory_space<hbm>>
        tpu.enqueue_dma source(%dma_start3A_235 : memref<80xi32, #tpu.memory_space<hbm>>) target(%arg10 : memref<80xi32, #tpu.memory_space<vmem>>) target_semaphore(%arg23 : memref<!tpu.dma_semaphore, #tpu.memory_space<semaphore_mem>>)
      } else {
      }
      %lt3A_100 = arith.constant 125 : i32
      %lt3A_101 = arith.cmpi slt, %add3A_91, %lt3A_100 : i32
      %convert_element_type3A_102 = arith.extui %lt3A_101 : i1 to i32
      %cond3A_103 = arith.constant 0 : i32
      %cond3A_104 = arith.cmpi ne, %convert_element_type3A_102, %cond3A_103 : i32
      scf.if %cond3A_104 {
        %mul3A_231 = arith.constant 80 : i32
        %mul3A_232 = arith.muli %add3A_91, %mul3A_231 : i32
        %add3A_233 = arith.addi %mul3A_2, %mul3A_232 : i32
        %dma_wait3A = tpu.memref_slice %arg3[%add3A_233] : memref<320000xi32, #tpu.memory_space<hbm>> -> memref<80xi32, #tpu.memory_space<hbm>>
        %dma_wait3A_234 = tpu.memref_slice %arg3[%add3A_233] : memref<320000xi32, #tpu.memory_space<hbm>> -> memref<80xi32, #tpu.memory_space<hbm>>
        tpu.wait_dma2 semaphore(%arg19 : memref<!tpu.dma_semaphore, #tpu.memory_space<semaphore_mem>>) src(%dma_wait3A_234 : memref<80xi32, #tpu.memory_space<hbm>>) dst(%arg6 : memref<80xi32, #tpu.memory_space<vmem>>)
        %dma_start3A_235 = arith.constant 0 : i32
        %dma_start3A_236 = arith.constant 0 : i32
        %dma_start3A_237 = tpu.memref_slice %arg2[%dma_start3A_235, %dma_start3A_236] : memref<10000x128xf32, #tpu.memory_space<hbm>> -> memref<10000x128xf32, #tpu.memory_space<hbm>>
        tpu.enqueue_indirect_dma source(%dma_start3A_237 : memref<10000x128xf32, #tpu.memory_space<hbm>>) target(%arg14 : memref<80x128xf32, #tpu.memory_space<vmem>>) offsets(%arg6 : memref<80xi32, #tpu.memory_space<vmem>>) semaphore(%arg27 : memref<!tpu.dma_semaphore, #tpu.memory_space<semaphore_mem>>)
      } else {
      }
      %ge3A_105 = arith.constant 2 : i32
      %ge3A_106 = arith.cmpi sge, %add3A_91, %ge3A_105 : i32
      %lt3A_107 = arith.constant 127 : i32
      %lt3A_108 = arith.cmpi slt, %add3A_91, %lt3A_107 : i32
      %and3A_109 = arith.andi %ge3A_106, %lt3A_108 : i1
      %convert_element_type3A_110 = arith.extui %and3A_109 : i1 to i32
      %cond3A_111 = arith.constant 0 : i32
      %cond3A_112 = arith.cmpi ne, %convert_element_type3A_110, %cond3A_111 : i32
      scf.if %cond3A_112 {
        %dma_wait3A = arith.constant 0 : i32
        %dma_wait3A_231 = arith.constant 0 : i32
        %dma_wait3A_232 = tpu.memref_slice %arg2[%dma_wait3A, %dma_wait3A_231] : memref<10000x128xf32, #tpu.memory_space<hbm>> -> memref<10000x128xf32, #tpu.memory_space<hbm>>
        tpu.wait_indirect_dma semaphore(%arg29 : memref<!tpu.dma_semaphore, #tpu.memory_space<semaphore_mem>>) src(%dma_wait3A_232 : memref<10000x128xf32, #tpu.memory_space<hbm>>) dst(%arg16 : memref<80x128xf32, #tpu.memory_space<vmem>>)
        %sub3A = arith.constant 2 : i32
        %sub3A_233 = arith.subi %add3A_91, %sub3A : i32
        %mul3A_234 = arith.constant 80 : i32
        %mul3A_235 = arith.muli %sub3A_233, %mul3A_234 : i32
        %add3A_236 = arith.addi %mul3A_2, %mul3A_235 : i32
        %dma_wait3A_237 = tpu.memref_slice %arg4[%add3A_236] : memref<320000xi32, #tpu.memory_space<hbm>> -> memref<80xi32, #tpu.memory_space<hbm>>
        %dma_wait3A_238 = tpu.memref_slice %arg4[%add3A_236] : memref<320000xi32, #tpu.memory_space<hbm>> -> memref<80xi32, #tpu.memory_space<hbm>>
        tpu.wait_dma2 semaphore(%arg25 : memref<!tpu.dma_semaphore, #tpu.memory_space<semaphore_mem>>) src(%dma_wait3A_238 : memref<80xi32, #tpu.memory_space<hbm>>) dst(%arg12 : memref<80xi32, #tpu.memory_space<vmem>>)
        %dma_start3A_239 = arith.constant 0 : i32
        %dma_start3A_240 = arith.constant 0 : i32
        %dma_start3A_241 = tpu.memref_slice %arg18[%dma_start3A_239, %dma_start3A_240] : memref<10240x128xf32, #tpu.memory_space<vmem_shared>> -> memref<10240x128xf32, #tpu.memory_space<vmem_shared>>
        tpu.enqueue_indirect_dma source(%arg16 : memref<80x128xf32, #tpu.memory_space<vmem>>) target(%dma_start3A_241 : memref<10240x128xf32, #tpu.memory_space<vmem_shared>>) offsets(%arg12 : memref<80xi32, #tpu.memory_space<vmem>>) semaphore(%arg33 : memref<!tpu.dma_semaphore, #tpu.memory_space<semaphore_mem>>) {add = true}
      } else {
      }
      %add3A_113 = arith.constant 2 : i32
      %add3A_114 = arith.addi %add3A_91, %add3A_113 : i32
      %lt3A_115 = arith.constant 125 : i32
      %lt3A_116 = arith.cmpi slt, %add3A_114, %lt3A_115 : i32
      %convert_element_type3A_117 = arith.extui %lt3A_116 : i1 to i32
      %cond3A_118 = arith.constant 0 : i32
      %cond3A_119 = arith.cmpi ne, %convert_element_type3A_117, %cond3A_118 : i32
      scf.if %cond3A_119 {
        %add3A_231 = arith.constant 2 : i32
        %add3A_232 = arith.addi %add3A_91, %add3A_231 : i32
        %mul3A_233 = arith.constant 80 : i32
        %mul3A_234 = arith.muli %add3A_232, %mul3A_233 : i32
        %add3A_235 = arith.addi %mul3A_2, %mul3A_234 : i32
        %dma_start3A_236 = tpu.memref_slice %arg3[%add3A_235] : memref<320000xi32, #tpu.memory_space<hbm>> -> memref<80xi32, #tpu.memory_space<hbm>>
        %dma_start3A_237 = tpu.memref_slice %arg3[%add3A_235] : memref<320000xi32, #tpu.memory_space<hbm>> -> memref<80xi32, #tpu.memory_space<hbm>>
        tpu.enqueue_dma source(%dma_start3A_237 : memref<80xi32, #tpu.memory_space<hbm>>) target(%arg8 : memref<80xi32, #tpu.memory_space<vmem>>) target_semaphore(%arg21 : memref<!tpu.dma_semaphore, #tpu.memory_space<semaphore_mem>>)
      } else {
      }
      %mul3A_120 = arith.constant 4 : i32
      %mul3A_121 = arith.muli %scan3A_87, %mul3A_120 : i32
      %add3A_122 = arith.constant 1 : i32
      %add3A_123 = arith.addi %mul3A_121, %add3A_122 : i32
      %ge3A_124 = arith.constant 4 : i32
      %ge3A_125 = arith.cmpi sge, %add3A_123, %ge3A_124 : i32
      %lt3A_126 = arith.constant 129 : i32
      %lt3A_127 = arith.cmpi slt, %add3A_123, %lt3A_126 : i32
      %and3A_128 = arith.andi %ge3A_125, %lt3A_127 : i1
      %convert_element_type3A_129 = arith.extui %and3A_128 : i1 to i32
      %cond3A_130 = arith.constant 0 : i32
      %cond3A_131 = arith.cmpi ne, %convert_element_type3A_129, %cond3A_130 : i32
      scf.if %cond3A_131 {
        %dma_wait3A = arith.constant 0 : i32
        %dma_wait3A_231 = arith.constant 0 : i32
        %dma_wait3A_232 = tpu.memref_slice %arg18[%dma_wait3A, %dma_wait3A_231] : memref<10240x128xf32, #tpu.memory_space<vmem_shared>> -> memref<10240x128xf32, #tpu.memory_space<vmem_shared>>
        tpu.wait_indirect_dma semaphore(%arg32 : memref<!tpu.dma_semaphore, #tpu.memory_space<semaphore_mem>>) src(%arg15 : memref<80x128xf32, #tpu.memory_space<vmem>>) dst(%dma_wait3A_232 : memref<10240x128xf32, #tpu.memory_space<vmem_shared>>)
      } else {
      }
      %lt3A_132 = arith.constant 125 : i32
      %lt3A_133 = arith.cmpi slt, %add3A_123, %lt3A_132 : i32
      %convert_element_type3A_134 = arith.extui %lt3A_133 : i1 to i32
      %cond3A_135 = arith.constant 0 : i32
      %cond3A_136 = arith.cmpi ne, %convert_element_type3A_134, %cond3A_135 : i32
      scf.if %cond3A_136 {
        %mul3A_231 = arith.constant 80 : i32
        %mul3A_232 = arith.muli %add3A_123, %mul3A_231 : i32
        %add3A_233 = arith.addi %mul3A_2, %mul3A_232 : i32
        %dma_start3A_234 = tpu.memref_slice %arg4[%add3A_233] : memref<320000xi32, #tpu.memory_space<hbm>> -> memref<80xi32, #tpu.memory_space<hbm>>
        %dma_start3A_235 = tpu.memref_slice %arg4[%add3A_233] : memref<320000xi32, #tpu.memory_space<hbm>> -> memref<80xi32, #tpu.memory_space<hbm>>
        tpu.enqueue_dma source(%dma_start3A_235 : memref<80xi32, #tpu.memory_space<hbm>>) target(%arg11 : memref<80xi32, #tpu.memory_space<vmem>>) target_semaphore(%arg24 : memref<!tpu.dma_semaphore, #tpu.memory_space<semaphore_mem>>)
      } else {
      }
      %lt3A_137 = arith.constant 125 : i32
      %lt3A_138 = arith.cmpi slt, %add3A_123, %lt3A_137 : i32
      %convert_element_type3A_139 = arith.extui %lt3A_138 : i1 to i32
      %cond3A_140 = arith.constant 0 : i32
      %cond3A_141 = arith.cmpi ne, %convert_element_type3A_139, %cond3A_140 : i32
      scf.if %cond3A_141 {
        %mul3A_231 = arith.constant 80 : i32
        %mul3A_232 = arith.muli %add3A_123, %mul3A_231 : i32
        %add3A_233 = arith.addi %mul3A_2, %mul3A_232 : i32
        %dma_wait3A = tpu.memref_slice %arg3[%add3A_233] : memref<320000xi32, #tpu.memory_space<hbm>> -> memref<80xi32, #tpu.memory_space<hbm>>
        %dma_wait3A_234 = tpu.memref_slice %arg3[%add3A_233] : memref<320000xi32, #tpu.memory_space<hbm>> -> memref<80xi32, #tpu.memory_space<hbm>>
        tpu.wait_dma2 semaphore(%arg20 : memref<!tpu.dma_semaphore, #tpu.memory_space<semaphore_mem>>) src(%dma_wait3A_234 : memref<80xi32, #tpu.memory_space<hbm>>) dst(%arg7 : memref<80xi32, #tpu.memory_space<vmem>>)
        %dma_start3A_235 = arith.constant 0 : i32
        %dma_start3A_236 = arith.constant 0 : i32
        %dma_start3A_237 = tpu.memref_slice %arg2[%dma_start3A_235, %dma_start3A_236] : memref<10000x128xf32, #tpu.memory_space<hbm>> -> memref<10000x128xf32, #tpu.memory_space<hbm>>
        tpu.enqueue_indirect_dma source(%dma_start3A_237 : memref<10000x128xf32, #tpu.memory_space<hbm>>) target(%arg15 : memref<80x128xf32, #tpu.memory_space<vmem>>) offsets(%arg7 : memref<80xi32, #tpu.memory_space<vmem>>) semaphore(%arg28 : memref<!tpu.dma_semaphore, #tpu.memory_space<semaphore_mem>>)
      } else {
      }
      %ge3A_142 = arith.constant 2 : i32
      %ge3A_143 = arith.cmpi sge, %add3A_123, %ge3A_142 : i32
      %lt3A_144 = arith.constant 127 : i32
      %lt3A_145 = arith.cmpi slt, %add3A_123, %lt3A_144 : i32
      %and3A_146 = arith.andi %ge3A_143, %lt3A_145 : i1
      %convert_element_type3A_147 = arith.extui %and3A_146 : i1 to i32
      %cond3A_148 = arith.constant 0 : i32
      %cond3A_149 = arith.cmpi ne, %convert_element_type3A_147, %cond3A_148 : i32
      scf.if %cond3A_149 {
        %dma_wait3A = arith.constant 0 : i32
        %dma_wait3A_231 = arith.constant 0 : i32
        %dma_wait3A_232 = tpu.memref_slice %arg2[%dma_wait3A, %dma_wait3A_231] : memref<10000x128xf32, #tpu.memory_space<hbm>> -> memref<10000x128xf32, #tpu.memory_space<hbm>>
        tpu.wait_indirect_dma semaphore(%arg30 : memref<!tpu.dma_semaphore, #tpu.memory_space<semaphore_mem>>) src(%dma_wait3A_232 : memref<10000x128xf32, #tpu.memory_space<hbm>>) dst(%arg17 : memref<80x128xf32, #tpu.memory_space<vmem>>)
        %sub3A = arith.constant 2 : i32
        %sub3A_233 = arith.subi %add3A_123, %sub3A : i32
        %mul3A_234 = arith.constant 80 : i32
        %mul3A_235 = arith.muli %sub3A_233, %mul3A_234 : i32
        %add3A_236 = arith.addi %mul3A_2, %mul3A_235 : i32
        %dma_wait3A_237 = tpu.memref_slice %arg4[%add3A_236] : memref<320000xi32, #tpu.memory_space<hbm>> -> memref<80xi32, #tpu.memory_space<hbm>>
        %dma_wait3A_238 = tpu.memref_slice %arg4[%add3A_236] : memref<320000xi32, #tpu.memory_space<hbm>> -> memref<80xi32, #tpu.memory_space<hbm>>
        tpu.wait_dma2 semaphore(%arg26 : memref<!tpu.dma_semaphore, #tpu.memory_space<semaphore_mem>>) src(%dma_wait3A_238 : memref<80xi32, #tpu.memory_space<hbm>>) dst(%arg13 : memref<80xi32, #tpu.memory_space<vmem>>)
        %dma_start3A_239 = arith.constant 0 : i32
        %dma_start3A_240 = arith.constant 0 : i32
        %dma_start3A_241 = tpu.memref_slice %arg18[%dma_start3A_239, %dma_start3A_240] : memref<10240x128xf32, #tpu.memory_space<vmem_shared>> -> memref<10240x128xf32, #tpu.memory_space<vmem_shared>>
        tpu.enqueue_indirect_dma source(%arg17 : memref<80x128xf32, #tpu.memory_space<vmem>>) target(%dma_start3A_241 : memref<10240x128xf32, #tpu.memory_space<vmem_shared>>) offsets(%arg13 : memref<80xi32, #tpu.memory_space<vmem>>) semaphore(%arg34 : memref<!tpu.dma_semaphore, #tpu.memory_space<semaphore_mem>>) {add = true}
      } else {
      }
      %add3A_150 = arith.constant 2 : i32
      %add3A_151 = arith.addi %add3A_123, %add3A_150 : i32
      %lt3A_152 = arith.constant 125 : i32
      %lt3A_153 = arith.cmpi slt, %add3A_151, %lt3A_152 : i32
      %convert_element_type3A_154 = arith.extui %lt3A_153 : i1 to i32
      %cond3A_155 = arith.constant 0 : i32
      %cond3A_156 = arith.cmpi ne, %convert_element_type3A_154, %cond3A_155 : i32
      scf.if %cond3A_156 {
        %add3A_231 = arith.constant 2 : i32
        %add3A_232 = arith.addi %add3A_123, %add3A_231 : i32
        %mul3A_233 = arith.constant 80 : i32
        %mul3A_234 = arith.muli %add3A_232, %mul3A_233 : i32
        %add3A_235 = arith.addi %mul3A_2, %mul3A_234 : i32
        %dma_start3A_236 = tpu.memref_slice %arg3[%add3A_235] : memref<320000xi32, #tpu.memory_space<hbm>> -> memref<80xi32, #tpu.memory_space<hbm>>
        %dma_start3A_237 = tpu.memref_slice %arg3[%add3A_235] : memref<320000xi32, #tpu.memory_space<hbm>> -> memref<80xi32, #tpu.memory_space<hbm>>
        tpu.enqueue_dma source(%dma_start3A_237 : memref<80xi32, #tpu.memory_space<hbm>>) target(%arg9 : memref<80xi32, #tpu.memory_space<vmem>>) target_semaphore(%arg22 : memref<!tpu.dma_semaphore, #tpu.memory_space<semaphore_mem>>)
      } else {
      }
      %mul3A_157 = arith.constant 4 : i32
      %mul3A_158 = arith.muli %scan3A_87, %mul3A_157 : i32
      %add3A_159 = arith.constant 2 : i32
      %add3A_160 = arith.addi %mul3A_158, %add3A_159 : i32
      %ge3A_161 = arith.constant 4 : i32
      %ge3A_162 = arith.cmpi sge, %add3A_160, %ge3A_161 : i32
      %lt3A_163 = arith.constant 129 : i32
      %lt3A_164 = arith.cmpi slt, %add3A_160, %lt3A_163 : i32
      %and3A_165 = arith.andi %ge3A_162, %lt3A_164 : i1
      %convert_element_type3A_166 = arith.extui %and3A_165 : i1 to i32
      %cond3A_167 = arith.constant 0 : i32
      %cond3A_168 = arith.cmpi ne, %convert_element_type3A_166, %cond3A_167 : i32
      scf.if %cond3A_168 {
        %dma_wait3A = arith.constant 0 : i32
        %dma_wait3A_231 = arith.constant 0 : i32
        %dma_wait3A_232 = tpu.memref_slice %arg18[%dma_wait3A, %dma_wait3A_231] : memref<10240x128xf32, #tpu.memory_space<vmem_shared>> -> memref<10240x128xf32, #tpu.memory_space<vmem_shared>>
        tpu.wait_indirect_dma semaphore(%arg33 : memref<!tpu.dma_semaphore, #tpu.memory_space<semaphore_mem>>) src(%arg16 : memref<80x128xf32, #tpu.memory_space<vmem>>) dst(%dma_wait3A_232 : memref<10240x128xf32, #tpu.memory_space<vmem_shared>>)
      } else {
      }
      %lt3A_169 = arith.constant 125 : i32
      %lt3A_170 = arith.cmpi slt, %add3A_160, %lt3A_169 : i32
      %convert_element_type3A_171 = arith.extui %lt3A_170 : i1 to i32
      %cond3A_172 = arith.constant 0 : i32
      %cond3A_173 = arith.cmpi ne, %convert_element_type3A_171, %cond3A_172 : i32
      scf.if %cond3A_173 {
        %mul3A_231 = arith.constant 80 : i32
        %mul3A_232 = arith.muli %add3A_160, %mul3A_231 : i32
        %add3A_233 = arith.addi %mul3A_2, %mul3A_232 : i32
        %dma_start3A_234 = tpu.memref_slice %arg4[%add3A_233] : memref<320000xi32, #tpu.memory_space<hbm>> -> memref<80xi32, #tpu.memory_space<hbm>>
        %dma_start3A_235 = tpu.memref_slice %arg4[%add3A_233] : memref<320000xi32, #tpu.memory_space<hbm>> -> memref<80xi32, #tpu.memory_space<hbm>>
        tpu.enqueue_dma source(%dma_start3A_235 : memref<80xi32, #tpu.memory_space<hbm>>) target(%arg12 : memref<80xi32, #tpu.memory_space<vmem>>) target_semaphore(%arg25 : memref<!tpu.dma_semaphore, #tpu.memory_space<semaphore_mem>>)
      } else {
      }
      %lt3A_174 = arith.constant 125 : i32
      %lt3A_175 = arith.cmpi slt, %add3A_160, %lt3A_174 : i32
      %convert_element_type3A_176 = arith.extui %lt3A_175 : i1 to i32
      %cond3A_177 = arith.constant 0 : i32
      %cond3A_178 = arith.cmpi ne, %convert_element_type3A_176, %cond3A_177 : i32
      scf.if %cond3A_178 {
        %mul3A_231 = arith.constant 80 : i32
        %mul3A_232 = arith.muli %add3A_160, %mul3A_231 : i32
        %add3A_233 = arith.addi %mul3A_2, %mul3A_232 : i32
        %dma_wait3A = tpu.memref_slice %arg3[%add3A_233] : memref<320000xi32, #tpu.memory_space<hbm>> -> memref<80xi32, #tpu.memory_space<hbm>>
        %dma_wait3A_234 = tpu.memref_slice %arg3[%add3A_233] : memref<320000xi32, #tpu.memory_space<hbm>> -> memref<80xi32, #tpu.memory_space<hbm>>
        tpu.wait_dma2 semaphore(%arg21 : memref<!tpu.dma_semaphore, #tpu.memory_space<semaphore_mem>>) src(%dma_wait3A_234 : memref<80xi32, #tpu.memory_space<hbm>>) dst(%arg8 : memref<80xi32, #tpu.memory_space<vmem>>)
        %dma_start3A_235 = arith.constant 0 : i32
        %dma_start3A_236 = arith.constant 0 : i32
        %dma_start3A_237 = tpu.memref_slice %arg2[%dma_start3A_235, %dma_start3A_236] : memref<10000x128xf32, #tpu.memory_space<hbm>> -> memref<10000x128xf32, #tpu.memory_space<hbm>>
        tpu.enqueue_indirect_dma source(%dma_start3A_237 : memref<10000x128xf32, #tpu.memory_space<hbm>>) target(%arg16 : memref<80x128xf32, #tpu.memory_space<vmem>>) offsets(%arg8 : memref<80xi32, #tpu.memory_space<vmem>>) semaphore(%arg29 : memref<!tpu.dma_semaphore, #tpu.memory_space<semaphore_mem>>)
      } else {
      }
      %ge3A_179 = arith.constant 2 : i32
      %ge3A_180 = arith.cmpi sge, %add3A_160, %ge3A_179 : i32
      %lt3A_181 = arith.constant 127 : i32
      %lt3A_182 = arith.cmpi slt, %add3A_160, %lt3A_181 : i32
      %and3A_183 = arith.andi %ge3A_180, %lt3A_182 : i1
      %convert_element_type3A_184 = arith.extui %and3A_183 : i1 to i32
      %cond3A_185 = arith.constant 0 : i32
      %cond3A_186 = arith.cmpi ne, %convert_element_type3A_184, %cond3A_185 : i32
      scf.if %cond3A_186 {
        %dma_wait3A = arith.constant 0 : i32
        %dma_wait3A_231 = arith.constant 0 : i32
        %dma_wait3A_232 = tpu.memref_slice %arg2[%dma_wait3A, %dma_wait3A_231] : memref<10000x128xf32, #tpu.memory_space<hbm>> -> memref<10000x128xf32, #tpu.memory_space<hbm>>
        tpu.wait_indirect_dma semaphore(%arg27 : memref<!tpu.dma_semaphore, #tpu.memory_space<semaphore_mem>>) src(%dma_wait3A_232 : memref<10000x128xf32, #tpu.memory_space<hbm>>) dst(%arg14 : memref<80x128xf32, #tpu.memory_space<vmem>>)
        %sub3A = arith.constant 2 : i32
        %sub3A_233 = arith.subi %add3A_160, %sub3A : i32
        %mul3A_234 = arith.constant 80 : i32
        %mul3A_235 = arith.muli %sub3A_233, %mul3A_234 : i32
        %add3A_236 = arith.addi %mul3A_2, %mul3A_235 : i32
        %dma_wait3A_237 = tpu.memref_slice %arg4[%add3A_236] : memref<320000xi32, #tpu.memory_space<hbm>> -> memref<80xi32, #tpu.memory_space<hbm>>
        %dma_wait3A_238 = tpu.memref_slice %arg4[%add3A_236] : memref<320000xi32, #tpu.memory_space<hbm>> -> memref<80xi32, #tpu.memory_space<hbm>>
        tpu.wait_dma2 semaphore(%arg23 : memref<!tpu.dma_semaphore, #tpu.memory_space<semaphore_mem>>) src(%dma_wait3A_238 : memref<80xi32, #tpu.memory_space<hbm>>) dst(%arg10 : memref<80xi32, #tpu.memory_space<vmem>>)
        %dma_start3A_239 = arith.constant 0 : i32
        %dma_start3A_240 = arith.constant 0 : i32
        %dma_start3A_241 = tpu.memref_slice %arg18[%dma_start3A_239, %dma_start3A_240] : memref<10240x128xf32, #tpu.memory_space<vmem_shared>> -> memref<10240x128xf32, #tpu.memory_space<vmem_shared>>
        tpu.enqueue_indirect_dma source(%arg14 : memref<80x128xf32, #tpu.memory_space<vmem>>) target(%dma_start3A_241 : memref<10240x128xf32, #tpu.memory_space<vmem_shared>>) offsets(%arg10 : memref<80xi32, #tpu.memory_space<vmem>>) semaphore(%arg31 : memref<!tpu.dma_semaphore, #tpu.memory_space<semaphore_mem>>) {add = true}
      } else {
      }
      %add3A_187 = arith.constant 2 : i32
      %add3A_188 = arith.addi %add3A_160, %add3A_187 : i32
      %lt3A_189 = arith.constant 125 : i32
      %lt3A_190 = arith.cmpi slt, %add3A_188, %lt3A_189 : i32
      %convert_element_type3A_191 = arith.extui %lt3A_190 : i1 to i32
      %cond3A_192 = arith.constant 0 : i32
      %cond3A_193 = arith.cmpi ne, %convert_element_type3A_191, %cond3A_192 : i32
      scf.if %cond3A_193 {
        %add3A_231 = arith.constant 2 : i32
        %add3A_232 = arith.addi %add3A_160, %add3A_231 : i32
        %mul3A_233 = arith.constant 80 : i32
        %mul3A_234 = arith.muli %add3A_232, %mul3A_233 : i32
        %add3A_235 = arith.addi %mul3A_2, %mul3A_234 : i32
        %dma_start3A_236 = tpu.memref_slice %arg3[%add3A_235] : memref<320000xi32, #tpu.memory_space<hbm>> -> memref<80xi32, #tpu.memory_space<hbm>>
        %dma_start3A_237 = tpu.memref_slice %arg3[%add3A_235] : memref<320000xi32, #tpu.memory_space<hbm>> -> memref<80xi32, #tpu.memory_space<hbm>>
        tpu.enqueue_dma source(%dma_start3A_237 : memref<80xi32, #tpu.memory_space<hbm>>) target(%arg6 : memref<80xi32, #tpu.memory_space<vmem>>) target_semaphore(%arg19 : memref<!tpu.dma_semaphore, #tpu.memory_space<semaphore_mem>>)
      } else {
      }
      %mul3A_194 = arith.constant 4 : i32
      %mul3A_195 = arith.muli %scan3A_87, %mul3A_194 : i32
      %add3A_196 = arith.constant 3 : i32
      %add3A_197 = arith.addi %mul3A_195, %add3A_196 : i32
      %ge3A_198 = arith.constant 4 : i32
      %ge3A_199 = arith.cmpi sge, %add3A_197, %ge3A_198 : i32
      %lt3A_200 = arith.constant 129 : i32
      %lt3A_201 = arith.cmpi slt, %add3A_197, %lt3A_200 : i32
      %and3A_202 = arith.andi %ge3A_199, %lt3A_201 : i1
      %convert_element_type3A_203 = arith.extui %and3A_202 : i1 to i32
      %cond3A_204 = arith.constant 0 : i32
      %cond3A_205 = arith.cmpi ne, %convert_element_type3A_203, %cond3A_204 : i32
      scf.if %cond3A_205 {
        %dma_wait3A = arith.constant 0 : i32
        %dma_wait3A_231 = arith.constant 0 : i32
        %dma_wait3A_232 = tpu.memref_slice %arg18[%dma_wait3A, %dma_wait3A_231] : memref<10240x128xf32, #tpu.memory_space<vmem_shared>> -> memref<10240x128xf32, #tpu.memory_space<vmem_shared>>
        tpu.wait_indirect_dma semaphore(%arg34 : memref<!tpu.dma_semaphore, #tpu.memory_space<semaphore_mem>>) src(%arg17 : memref<80x128xf32, #tpu.memory_space<vmem>>) dst(%dma_wait3A_232 : memref<10240x128xf32, #tpu.memory_space<vmem_shared>>)
      } else {
      }
      %lt3A_206 = arith.constant 125 : i32
      %lt3A_207 = arith.cmpi slt, %add3A_197, %lt3A_206 : i32
      %convert_element_type3A_208 = arith.extui %lt3A_207 : i1 to i32
      %cond3A_209 = arith.constant 0 : i32
      %cond3A_210 = arith.cmpi ne, %convert_element_type3A_208, %cond3A_209 : i32
      scf.if %cond3A_210 {
        %mul3A_231 = arith.constant 80 : i32
        %mul3A_232 = arith.muli %add3A_197, %mul3A_231 : i32
        %add3A_233 = arith.addi %mul3A_2, %mul3A_232 : i32
        %dma_start3A_234 = tpu.memref_slice %arg4[%add3A_233] : memref<320000xi32, #tpu.memory_space<hbm>> -> memref<80xi32, #tpu.memory_space<hbm>>
        %dma_start3A_235 = tpu.memref_slice %arg4[%add3A_233] : memref<320000xi32, #tpu.memory_space<hbm>> -> memref<80xi32, #tpu.memory_space<hbm>>
        tpu.enqueue_dma source(%dma_start3A_235 : memref<80xi32, #tpu.memory_space<hbm>>) target(%arg13 : memref<80xi32, #tpu.memory_space<vmem>>) target_semaphore(%arg26 : memref<!tpu.dma_semaphore, #tpu.memory_space<semaphore_mem>>)
      } else {
      }
      %lt3A_211 = arith.constant 125 : i32
      %lt3A_212 = arith.cmpi slt, %add3A_197, %lt3A_211 : i32
      %convert_element_type3A_213 = arith.extui %lt3A_212 : i1 to i32
      %cond3A_214 = arith.constant 0 : i32
      %cond3A_215 = arith.cmpi ne, %convert_element_type3A_213, %cond3A_214 : i32
      scf.if %cond3A_215 {
        %mul3A_231 = arith.constant 80 : i32
        %mul3A_232 = arith.muli %add3A_197, %mul3A_231 : i32
        %add3A_233 = arith.addi %mul3A_2, %mul3A_232 : i32
        %dma_wait3A = tpu.memref_slice %arg3[%add3A_233] : memref<320000xi32, #tpu.memory_space<hbm>> -> memref<80xi32, #tpu.memory_space<hbm>>
        %dma_wait3A_234 = tpu.memref_slice %arg3[%add3A_233] : memref<320000xi32, #tpu.memory_space<hbm>> -> memref<80xi32, #tpu.memory_space<hbm>>
        tpu.wait_dma2 semaphore(%arg22 : memref<!tpu.dma_semaphore, #tpu.memory_space<semaphore_mem>>) src(%dma_wait3A_234 : memref<80xi32, #tpu.memory_space<hbm>>) dst(%arg9 : memref<80xi32, #tpu.memory_space<vmem>>)
        %dma_start3A_235 = arith.constant 0 : i32
        %dma_start3A_236 = arith.constant 0 : i32
        %dma_start3A_237 = tpu.memref_slice %arg2[%dma_start3A_235, %dma_start3A_236] : memref<10000x128xf32, #tpu.memory_space<hbm>> -> memref<10000x128xf32, #tpu.memory_space<hbm>>
        tpu.enqueue_indirect_dma source(%dma_start3A_237 : memref<10000x128xf32, #tpu.memory_space<hbm>>) target(%arg17 : memref<80x128xf32, #tpu.memory_space<vmem>>) offsets(%arg9 : memref<80xi32, #tpu.memory_space<vmem>>) semaphore(%arg30 : memref<!tpu.dma_semaphore, #tpu.memory_space<semaphore_mem>>)
      } else {
      }
      %ge3A_216 = arith.constant 2 : i32
      %ge3A_217 = arith.cmpi sge, %add3A_197, %ge3A_216 : i32
      %lt3A_218 = arith.constant 127 : i32
      %lt3A_219 = arith.cmpi slt, %add3A_197, %lt3A_218 : i32
      %and3A_220 = arith.andi %ge3A_217, %lt3A_219 : i1
      %convert_element_type3A_221 = arith.extui %and3A_220 : i1 to i32
      %cond3A_222 = arith.constant 0 : i32
      %cond3A_223 = arith.cmpi ne, %convert_element_type3A_221, %cond3A_222 : i32
      scf.if %cond3A_223 {
        %dma_wait3A = arith.constant 0 : i32
        %dma_wait3A_231 = arith.constant 0 : i32
        %dma_wait3A_232 = tpu.memref_slice %arg2[%dma_wait3A, %dma_wait3A_231] : memref<10000x128xf32, #tpu.memory_space<hbm>> -> memref<10000x128xf32, #tpu.memory_space<hbm>>
        tpu.wait_indirect_dma semaphore(%arg28 : memref<!tpu.dma_semaphore, #tpu.memory_space<semaphore_mem>>) src(%dma_wait3A_232 : memref<10000x128xf32, #tpu.memory_space<hbm>>) dst(%arg15 : memref<80x128xf32, #tpu.memory_space<vmem>>)
        %sub3A = arith.constant 2 : i32
        %sub3A_233 = arith.subi %add3A_197, %sub3A : i32
        %mul3A_234 = arith.constant 80 : i32
        %mul3A_235 = arith.muli %sub3A_233, %mul3A_234 : i32
        %add3A_236 = arith.addi %mul3A_2, %mul3A_235 : i32
        %dma_wait3A_237 = tpu.memref_slice %arg4[%add3A_236] : memref<320000xi32, #tpu.memory_space<hbm>> -> memref<80xi32, #tpu.memory_space<hbm>>
        %dma_wait3A_238 = tpu.memref_slice %arg4[%add3A_236] : memref<320000xi32, #tpu.memory_space<hbm>> -> memref<80xi32, #tpu.memory_space<hbm>>
        tpu.wait_dma2 semaphore(%arg24 : memref<!tpu.dma_semaphore, #tpu.memory_space<semaphore_mem>>) src(%dma_wait3A_238 : memref<80xi32, #tpu.memory_space<hbm>>) dst(%arg11 : memref<80xi32, #tpu.memory_space<vmem>>)
        %dma_start3A_239 = arith.constant 0 : i32
        %dma_start3A_240 = arith.constant 0 : i32
        %dma_start3A_241 = tpu.memref_slice %arg18[%dma_start3A_239, %dma_start3A_240] : memref<10240x128xf32, #tpu.memory_space<vmem_shared>> -> memref<10240x128xf32, #tpu.memory_space<vmem_shared>>
        tpu.enqueue_indirect_dma source(%arg15 : memref<80x128xf32, #tpu.memory_space<vmem>>) target(%dma_start3A_241 : memref<10240x128xf32, #tpu.memory_space<vmem_shared>>) offsets(%arg11 : memref<80xi32, #tpu.memory_space<vmem>>) semaphore(%arg32 : memref<!tpu.dma_semaphore, #tpu.memory_space<semaphore_mem>>) {add = true}
      } else {
      }
      %add3A_224 = arith.constant 2 : i32
      %add3A_225 = arith.addi %add3A_197, %add3A_224 : i32
      %lt3A_226 = arith.constant 125 : i32
      %lt3A_227 = arith.cmpi slt, %add3A_225, %lt3A_226 : i32
      %convert_element_type3A_228 = arith.extui %lt3A_227 : i1 to i32
      %cond3A_229 = arith.constant 0 : i32
      %cond3A_230 = arith.cmpi ne, %convert_element_type3A_228, %cond3A_229 : i32
      scf.if %cond3A_230 {
        %add3A_231 = arith.constant 2 : i32
        %add3A_232 = arith.addi %add3A_197, %add3A_231 : i32
        %mul3A_233 = arith.constant 80 : i32
        %mul3A_234 = arith.muli %add3A_232, %mul3A_233 : i32
        %add3A_235 = arith.addi %mul3A_2, %mul3A_234 : i32
        %dma_start3A_236 = tpu.memref_slice %arg3[%add3A_235] : memref<320000xi32, #tpu.memory_space<hbm>> -> memref<80xi32, #tpu.memory_space<hbm>>
        %dma_start3A_237 = tpu.memref_slice %arg3[%add3A_235] : memref<320000xi32, #tpu.memory_space<hbm>> -> memref<80xi32, #tpu.memory_space<hbm>>
        tpu.enqueue_dma source(%dma_start3A_237 : memref<80xi32, #tpu.memory_space<hbm>>) target(%arg7 : memref<80xi32, #tpu.memory_space<vmem>>) target_semaphore(%arg20 : memref<!tpu.dma_semaphore, #tpu.memory_space<semaphore_mem>>)
      } else {
      }
    }
    %scan3A_53 = arith.constant 33 : i32
    %barrier3A_54 = arith.constant 0 : index
    tpu.barrier barrier_id(%barrier3A_54)
    %mul3A_55 = arith.constant 640 : i32
    %mul3A_56 = arith.muli %arg1, %mul3A_55 : i32
    %add3A_57 = arith.constant 0 : i32
    %add3A_58 = arith.addi %mul3A_56, %add3A_57 : i32
    "tpu.region"() ({
      %run_scoped3A = tpu.sem_alloc : memref<!tpu.dma_semaphore, #tpu.memory_space<semaphore_mem>>
      %dma_start3A_87 = arith.constant 0 : i32
      %dma_start3A_88 = tpu.memref_slice %arg5[%arg0, %add3A_58, %dma_start3A_87] : memref<2x10240x128xf32, #tpu.memory_space<hbm>> -> memref<1x80x128xf32, #tpu.memory_space<hbm>>
      %dma_start3A_89 = tpu.memref_squeeze %dma_start3A_88 : memref<1x80x128xf32, #tpu.memory_space<hbm>> -> memref<80x128xf32, #tpu.memory_space<hbm>>
      %dma_start3A_90 = arith.constant 0 : i32
      %dma_start3A_91 = tpu.memref_slice %arg18[%add3A_58, %dma_start3A_90] : memref<10240x128xf32, #tpu.memory_space<vmem_shared>> -> memref<80x128xf32, #tpu.memory_space<vmem_shared>>
      tpu.enqueue_dma source(%dma_start3A_91 : memref<80x128xf32, #tpu.memory_space<vmem_shared>>) target(%dma_start3A_89 : memref<80x128xf32, #tpu.memory_space<hbm>>) target_semaphore(%run_scoped3A : memref<!tpu.dma_semaphore, #tpu.memory_space<semaphore_mem>>)
      %dma_wait3A = arith.constant 0 : i32
      %dma_wait3A_92 = tpu.memref_slice %arg5[%arg0, %add3A_58, %dma_wait3A] : memref<2x10240x128xf32, #tpu.memory_space<hbm>> -> memref<1x80x128xf32, #tpu.memory_space<hbm>>
      %dma_wait3A_93 = tpu.memref_squeeze %dma_wait3A_92 : memref<1x80x128xf32, #tpu.memory_space<hbm>> -> memref<80x128xf32, #tpu.memory_space<hbm>>
      %dma_wait3A_94 = arith.constant 0 : i32
      %dma_wait3A_95 = tpu.memref_slice %arg18[%add3A_58, %dma_wait3A_94] : memref<10240x128xf32, #tpu.memory_space<vmem_shared>> -> memref<80x128xf32, #tpu.memory_space<vmem_shared>>
      tpu.wait_dma2 semaphore(%run_scoped3A : memref<!tpu.dma_semaphore, #tpu.memory_space<semaphore_mem>>) src(%dma_wait3A_95 : memref<80x128xf32, #tpu.memory_space<vmem_shared>>) dst(%dma_wait3A_93 : memref<80x128xf32, #tpu.memory_space<hbm>>)
      tpu.yield
    }) : () -> ()
    %mul3A_59 = arith.constant 640 : i32
    %mul3A_60 = arith.muli %arg1, %mul3A_59 : i32
    %add3A_61 = arith.constant 80 : i32
    %add3A_62 = arith.addi %mul3A_60, %add3A_61 : i32
    "tpu.region"() ({
      %run_scoped3A = tpu.sem_alloc : memref<!tpu.dma_semaphore, #tpu.memory_space<semaphore_mem>>
      %dma_start3A_87 = arith.constant 0 : i32
      %dma_start3A_88 = tpu.memref_slice %arg5[%arg0, %add3A_62, %dma_start3A_87] : memref<2x10240x128xf32, #tpu.memory_space<hbm>> -> memref<1x80x128xf32, #tpu.memory_space<hbm>>
      %dma_start3A_89 = tpu.memref_squeeze %dma_start3A_88 : memref<1x80x128xf32, #tpu.memory_space<hbm>> -> memref<80x128xf32, #tpu.memory_space<hbm>>
      %dma_start3A_90 = arith.constant 0 : i32
      %dma_start3A_91 = tpu.memref_slice %arg18[%add3A_62, %dma_start3A_90] : memref<10240x128xf32, #tpu.memory_space<vmem_shared>> -> memref<80x128xf32, #tpu.memory_space<vmem_shared>>
      tpu.enqueue_dma source(%dma_start3A_91 : memref<80x128xf32, #tpu.memory_space<vmem_shared>>) target(%dma_start3A_89 : memref<80x128xf32, #tpu.memory_space<hbm>>) target_semaphore(%run_scoped3A : memref<!tpu.dma_semaphore, #tpu.memory_space<semaphore_mem>>)
      %dma_wait3A = arith.constant 0 : i32
      %dma_wait3A_92 = tpu.memref_slice %arg5[%arg0, %add3A_62, %dma_wait3A] : memref<2x10240x128xf32, #tpu.memory_space<hbm>> -> memref<1x80x128xf32, #tpu.memory_space<hbm>>
      %dma_wait3A_93 = tpu.memref_squeeze %dma_wait3A_92 : memref<1x80x128xf32, #tpu.memory_space<hbm>> -> memref<80x128xf32, #tpu.memory_space<hbm>>
      %dma_wait3A_94 = arith.constant 0 : i32
      %dma_wait3A_95 = tpu.memref_slice %arg18[%add3A_62, %dma_wait3A_94] : memref<10240x128xf32, #tpu.memory_space<vmem_shared>> -> memref<80x128xf32, #tpu.memory_space<vmem_shared>>
      tpu.wait_dma2 semaphore(%run_scoped3A : memref<!tpu.dma_semaphore, #tpu.memory_space<semaphore_mem>>) src(%dma_wait3A_95 : memref<80x128xf32, #tpu.memory_space<vmem_shared>>) dst(%dma_wait3A_93 : memref<80x128xf32, #tpu.memory_space<hbm>>)
      tpu.yield
    }) : () -> ()
    %mul3A_63 = arith.constant 640 : i32
    %mul3A_64 = arith.muli %arg1, %mul3A_63 : i32
    %add3A_65 = arith.constant 160 : i32
    %add3A_66 = arith.addi %mul3A_64, %add3A_65 : i32
    "tpu.region"() ({
      %run_scoped3A = tpu.sem_alloc : memref<!tpu.dma_semaphore, #tpu.memory_space<semaphore_mem>>
      %dma_start3A_87 = arith.constant 0 : i32
      %dma_start3A_88 = tpu.memref_slice %arg5[%arg0, %add3A_66, %dma_start3A_87] : memref<2x10240x128xf32, #tpu.memory_space<hbm>> -> memref<1x80x128xf32, #tpu.memory_space<hbm>>
      %dma_start3A_89 = tpu.memref_squeeze %dma_start3A_88 : memref<1x80x128xf32, #tpu.memory_space<hbm>> -> memref<80x128xf32, #tpu.memory_space<hbm>>
      %dma_start3A_90 = arith.constant 0 : i32
      %dma_start3A_91 = tpu.memref_slice %arg18[%add3A_66, %dma_start3A_90] : memref<10240x128xf32, #tpu.memory_space<vmem_shared>> -> memref<80x128xf32, #tpu.memory_space<vmem_shared>>
      tpu.enqueue_dma source(%dma_start3A_91 : memref<80x128xf32, #tpu.memory_space<vmem_shared>>) target(%dma_start3A_89 : memref<80x128xf32, #tpu.memory_space<hbm>>) target_semaphore(%run_scoped3A : memref<!tpu.dma_semaphore, #tpu.memory_space<semaphore_mem>>)
      %dma_wait3A = arith.constant 0 : i32
      %dma_wait3A_92 = tpu.memref_slice %arg5[%arg0, %add3A_66, %dma_wait3A] : memref<2x10240x128xf32, #tpu.memory_space<hbm>> -> memref<1x80x128xf32, #tpu.memory_space<hbm>>
      %dma_wait3A_93 = tpu.memref_squeeze %dma_wait3A_92 : memref<1x80x128xf32, #tpu.memory_space<hbm>> -> memref<80x128xf32, #tpu.memory_space<hbm>>
      %dma_wait3A_94 = arith.constant 0 : i32
      %dma_wait3A_95 = tpu.memref_slice %arg18[%add3A_66, %dma_wait3A_94] : memref<10240x128xf32, #tpu.memory_space<vmem_shared>> -> memref<80x128xf32, #tpu.memory_space<vmem_shared>>
      tpu.wait_dma2 semaphore(%run_scoped3A : memref<!tpu.dma_semaphore, #tpu.memory_space<semaphore_mem>>) src(%dma_wait3A_95 : memref<80x128xf32, #tpu.memory_space<vmem_shared>>) dst(%dma_wait3A_93 : memref<80x128xf32, #tpu.memory_space<hbm>>)
      tpu.yield
    }) : () -> ()
    %mul3A_67 = arith.constant 640 : i32
    %mul3A_68 = arith.muli %arg1, %mul3A_67 : i32
    %add3A_69 = arith.constant 240 : i32
    %add3A_70 = arith.addi %mul3A_68, %add3A_69 : i32
    "tpu.region"() ({
      %run_scoped3A = tpu.sem_alloc : memref<!tpu.dma_semaphore, #tpu.memory_space<semaphore_mem>>
      %dma_start3A_87 = arith.constant 0 : i32
      %dma_start3A_88 = tpu.memref_slice %arg5[%arg0, %add3A_70, %dma_start3A_87] : memref<2x10240x128xf32, #tpu.memory_space<hbm>> -> memref<1x80x128xf32, #tpu.memory_space<hbm>>
      %dma_start3A_89 = tpu.memref_squeeze %dma_start3A_88 : memref<1x80x128xf32, #tpu.memory_space<hbm>> -> memref<80x128xf32, #tpu.memory_space<hbm>>
      %dma_start3A_90 = arith.constant 0 : i32
      %dma_start3A_91 = tpu.memref_slice %arg18[%add3A_70, %dma_start3A_90] : memref<10240x128xf32, #tpu.memory_space<vmem_shared>> -> memref<80x128xf32, #tpu.memory_space<vmem_shared>>
      tpu.enqueue_dma source(%dma_start3A_91 : memref<80x128xf32, #tpu.memory_space<vmem_shared>>) target(%dma_start3A_89 : memref<80x128xf32, #tpu.memory_space<hbm>>) target_semaphore(%run_scoped3A : memref<!tpu.dma_semaphore, #tpu.memory_space<semaphore_mem>>)
      %dma_wait3A = arith.constant 0 : i32
      %dma_wait3A_92 = tpu.memref_slice %arg5[%arg0, %add3A_70, %dma_wait3A] : memref<2x10240x128xf32, #tpu.memory_space<hbm>> -> memref<1x80x128xf32, #tpu.memory_space<hbm>>
      %dma_wait3A_93 = tpu.memref_squeeze %dma_wait3A_92 : memref<1x80x128xf32, #tpu.memory_space<hbm>> -> memref<80x128xf32, #tpu.memory_space<hbm>>
      %dma_wait3A_94 = arith.constant 0 : i32
      %dma_wait3A_95 = tpu.memref_slice %arg18[%add3A_70, %dma_wait3A_94] : memref<10240x128xf32, #tpu.memory_space<vmem_shared>> -> memref<80x128xf32, #tpu.memory_space<vmem_shared>>
      tpu.wait_dma2 semaphore(%run_scoped3A : memref<!tpu.dma_semaphore, #tpu.memory_space<semaphore_mem>>) src(%dma_wait3A_95 : memref<80x128xf32, #tpu.memory_space<vmem_shared>>) dst(%dma_wait3A_93 : memref<80x128xf32, #tpu.memory_space<hbm>>)
      tpu.yield
    }) : () -> ()
    %mul3A_71 = arith.constant 640 : i32
    %mul3A_72 = arith.muli %arg1, %mul3A_71 : i32
    %add3A_73 = arith.constant 320 : i32
    %add3A_74 = arith.addi %mul3A_72, %add3A_73 : i32
    "tpu.region"() ({
      %run_scoped3A = tpu.sem_alloc : memref<!tpu.dma_semaphore, #tpu.memory_space<semaphore_mem>>
      %dma_start3A_87 = arith.constant 0 : i32
      %dma_start3A_88 = tpu.memref_slice %arg5[%arg0, %add3A_74, %dma_start3A_87] : memref<2x10240x128xf32, #tpu.memory_space<hbm>> -> memref<1x80x128xf32, #tpu.memory_space<hbm>>
      %dma_start3A_89 = tpu.memref_squeeze %dma_start3A_88 : memref<1x80x128xf32, #tpu.memory_space<hbm>> -> memref<80x128xf32, #tpu.memory_space<hbm>>
      %dma_start3A_90 = arith.constant 0 : i32
      %dma_start3A_91 = tpu.memref_slice %arg18[%add3A_74, %dma_start3A_90] : memref<10240x128xf32, #tpu.memory_space<vmem_shared>> -> memref<80x128xf32, #tpu.memory_space<vmem_shared>>
      tpu.enqueue_dma source(%dma_start3A_91 : memref<80x128xf32, #tpu.memory_space<vmem_shared>>) target(%dma_start3A_89 : memref<80x128xf32, #tpu.memory_space<hbm>>) target_semaphore(%run_scoped3A : memref<!tpu.dma_semaphore, #tpu.memory_space<semaphore_mem>>)
      %dma_wait3A = arith.constant 0 : i32
      %dma_wait3A_92 = tpu.memref_slice %arg5[%arg0, %add3A_74, %dma_wait3A] : memref<2x10240x128xf32, #tpu.memory_space<hbm>> -> memref<1x80x128xf32, #tpu.memory_space<hbm>>
      %dma_wait3A_93 = tpu.memref_squeeze %dma_wait3A_92 : memref<1x80x128xf32, #tpu.memory_space<hbm>> -> memref<80x128xf32, #tpu.memory_space<hbm>>
      %dma_wait3A_94 = arith.constant 0 : i32
      %dma_wait3A_95 = tpu.memref_slice %arg18[%add3A_74, %dma_wait3A_94] : memref<10240x128xf32, #tpu.memory_space<vmem_shared>> -> memref<80x128xf32, #tpu.memory_space<vmem_shared>>
      tpu.wait_dma2 semaphore(%run_scoped3A : memref<!tpu.dma_semaphore, #tpu.memory_space<semaphore_mem>>) src(%dma_wait3A_95 : memref<80x128xf32, #tpu.memory_space<vmem_shared>>) dst(%dma_wait3A_93 : memref<80x128xf32, #tpu.memory_space<hbm>>)
      tpu.yield
    }) : () -> ()
    %mul3A_75 = arith.constant 640 : i32
    %mul3A_76 = arith.muli %arg1, %mul3A_75 : i32
    %add3A_77 = arith.constant 400 : i32
    %add3A_78 = arith.addi %mul3A_76, %add3A_77 : i32
    "tpu.region"() ({
      %run_scoped3A = tpu.sem_alloc : memref<!tpu.dma_semaphore, #tpu.memory_space<semaphore_mem>>
      %dma_start3A_87 = arith.constant 0 : i32
      %dma_start3A_88 = tpu.memref_slice %arg5[%arg0, %add3A_78, %dma_start3A_87] : memref<2x10240x128xf32, #tpu.memory_space<hbm>> -> memref<1x80x128xf32, #tpu.memory_space<hbm>>
      %dma_start3A_89 = tpu.memref_squeeze %dma_start3A_88 : memref<1x80x128xf32, #tpu.memory_space<hbm>> -> memref<80x128xf32, #tpu.memory_space<hbm>>
      %dma_start3A_90 = arith.constant 0 : i32
      %dma_start3A_91 = tpu.memref_slice %arg18[%add3A_78, %dma_start3A_90] : memref<10240x128xf32, #tpu.memory_space<vmem_shared>> -> memref<80x128xf32, #tpu.memory_space<vmem_shared>>
      tpu.enqueue_dma source(%dma_start3A_91 : memref<80x128xf32, #tpu.memory_space<vmem_shared>>) target(%dma_start3A_89 : memref<80x128xf32, #tpu.memory_space<hbm>>) target_semaphore(%run_scoped3A : memref<!tpu.dma_semaphore, #tpu.memory_space<semaphore_mem>>)
      %dma_wait3A = arith.constant 0 : i32
      %dma_wait3A_92 = tpu.memref_slice %arg5[%arg0, %add3A_78, %dma_wait3A] : memref<2x10240x128xf32, #tpu.memory_space<hbm>> -> memref<1x80x128xf32, #tpu.memory_space<hbm>>
      %dma_wait3A_93 = tpu.memref_squeeze %dma_wait3A_92 : memref<1x80x128xf32, #tpu.memory_space<hbm>> -> memref<80x128xf32, #tpu.memory_space<hbm>>
      %dma_wait3A_94 = arith.constant 0 : i32
      %dma_wait3A_95 = tpu.memref_slice %arg18[%add3A_78, %dma_wait3A_94] : memref<10240x128xf32, #tpu.memory_space<vmem_shared>> -> memref<80x128xf32, #tpu.memory_space<vmem_shared>>
      tpu.wait_dma2 semaphore(%run_scoped3A : memref<!tpu.dma_semaphore, #tpu.memory_space<semaphore_mem>>) src(%dma_wait3A_95 : memref<80x128xf32, #tpu.memory_space<vmem_shared>>) dst(%dma_wait3A_93 : memref<80x128xf32, #tpu.memory_space<hbm>>)
      tpu.yield
    }) : () -> ()
    %mul3A_79 = arith.constant 640 : i32
    %mul3A_80 = arith.muli %arg1, %mul3A_79 : i32
    %add3A_81 = arith.constant 480 : i32
    %add3A_82 = arith.addi %mul3A_80, %add3A_81 : i32
    "tpu.region"() ({
      %run_scoped3A = tpu.sem_alloc : memref<!tpu.dma_semaphore, #tpu.memory_space<semaphore_mem>>
      %dma_start3A_87 = arith.constant 0 : i32
      %dma_start3A_88 = tpu.memref_slice %arg5[%arg0, %add3A_82, %dma_start3A_87] : memref<2x10240x128xf32, #tpu.memory_space<hbm>> -> memref<1x80x128xf32, #tpu.memory_space<hbm>>
      %dma_start3A_89 = tpu.memref_squeeze %dma_start3A_88 : memref<1x80x128xf32, #tpu.memory_space<hbm>> -> memref<80x128xf32, #tpu.memory_space<hbm>>
      %dma_start3A_90 = arith.constant 0 : i32
      %dma_start3A_91 = tpu.memref_slice %arg18[%add3A_82, %dma_start3A_90] : memref<10240x128xf32, #tpu.memory_space<vmem_shared>> -> memref<80x128xf32, #tpu.memory_space<vmem_shared>>
      tpu.enqueue_dma source(%dma_start3A_91 : memref<80x128xf32, #tpu.memory_space<vmem_shared>>) target(%dma_start3A_89 : memref<80x128xf32, #tpu.memory_space<hbm>>) target_semaphore(%run_scoped3A : memref<!tpu.dma_semaphore, #tpu.memory_space<semaphore_mem>>)
      %dma_wait3A = arith.constant 0 : i32
      %dma_wait3A_92 = tpu.memref_slice %arg5[%arg0, %add3A_82, %dma_wait3A] : memref<2x10240x128xf32, #tpu.memory_space<hbm>> -> memref<1x80x128xf32, #tpu.memory_space<hbm>>
      %dma_wait3A_93 = tpu.memref_squeeze %dma_wait3A_92 : memref<1x80x128xf32, #tpu.memory_space<hbm>> -> memref<80x128xf32, #tpu.memory_space<hbm>>
      %dma_wait3A_94 = arith.constant 0 : i32
      %dma_wait3A_95 = tpu.memref_slice %arg18[%add3A_82, %dma_wait3A_94] : memref<10240x128xf32, #tpu.memory_space<vmem_shared>> -> memref<80x128xf32, #tpu.memory_space<vmem_shared>>
      tpu.wait_dma2 semaphore(%run_scoped3A : memref<!tpu.dma_semaphore, #tpu.memory_space<semaphore_mem>>) src(%dma_wait3A_95 : memref<80x128xf32, #tpu.memory_space<vmem_shared>>) dst(%dma_wait3A_93 : memref<80x128xf32, #tpu.memory_space<hbm>>)
      tpu.yield
    }) : () -> ()
    %mul3A_83 = arith.constant 640 : i32
    %mul3A_84 = arith.muli %arg1, %mul3A_83 : i32
    %add3A_85 = arith.constant 560 : i32
    %add3A_86 = arith.addi %mul3A_84, %add3A_85 : i32
    "tpu.region"() ({
      %run_scoped3A = tpu.sem_alloc : memref<!tpu.dma_semaphore, #tpu.memory_space<semaphore_mem>>
      %dma_start3A_87 = arith.constant 0 : i32
      %dma_start3A_88 = tpu.memref_slice %arg5[%arg0, %add3A_86, %dma_start3A_87] : memref<2x10240x128xf32, #tpu.memory_space<hbm>> -> memref<1x80x128xf32, #tpu.memory_space<hbm>>
      %dma_start3A_89 = tpu.memref_squeeze %dma_start3A_88 : memref<1x80x128xf32, #tpu.memory_space<hbm>> -> memref<80x128xf32, #tpu.memory_space<hbm>>
      %dma_start3A_90 = arith.constant 0 : i32
      %dma_start3A_91 = tpu.memref_slice %arg18[%add3A_86, %dma_start3A_90] : memref<10240x128xf32, #tpu.memory_space<vmem_shared>> -> memref<80x128xf32, #tpu.memory_space<vmem_shared>>
      tpu.enqueue_dma source(%dma_start3A_91 : memref<80x128xf32, #tpu.memory_space<vmem_shared>>) target(%dma_start3A_89 : memref<80x128xf32, #tpu.memory_space<hbm>>) target_semaphore(%run_scoped3A : memref<!tpu.dma_semaphore, #tpu.memory_space<semaphore_mem>>)
      %dma_wait3A = arith.constant 0 : i32
      %dma_wait3A_92 = tpu.memref_slice %arg5[%arg0, %add3A_86, %dma_wait3A] : memref<2x10240x128xf32, #tpu.memory_space<hbm>> -> memref<1x80x128xf32, #tpu.memory_space<hbm>>
      %dma_wait3A_93 = tpu.memref_squeeze %dma_wait3A_92 : memref<1x80x128xf32, #tpu.memory_space<hbm>> -> memref<80x128xf32, #tpu.memory_space<hbm>>
      %dma_wait3A_94 = arith.constant 0 : i32
      %dma_wait3A_95 = tpu.memref_slice %arg18[%add3A_86, %dma_wait3A_94] : memref<10240x128xf32, #tpu.memory_space<vmem_shared>> -> memref<80x128xf32, #tpu.memory_space<vmem_shared>>
      tpu.wait_dma2 semaphore(%run_scoped3A : memref<!tpu.dma_semaphore, #tpu.memory_space<semaphore_mem>>) src(%dma_wait3A_95 : memref<80x128xf32, #tpu.memory_space<vmem_shared>>) dst(%dma_wait3A_93 : memref<80x128xf32, #tpu.memory_space<hbm>>)
      tpu.yield
    }) : () -> ()
    return
  }
}

module attributes {stable_mosaic.version = 14 : i64} {
  func.func @_mm_body(%arg0: i32, %arg1: memref<5000x128xf32, #tpu.memory_space<vmem>>, %arg2: memref<128x128xf32, #tpu.memory_space<vmem>>, %arg3: memref<5000x32xf32, #tpu.memory_space<vmem>>, %arg4: memref<5000x128xf32, #tpu.memory_space<vmem>>) attributes {dimension_semantics = [#tpu.dimension_semantics<arbitrary>], iteration_bounds = array<i64: 2>, scalar_prefetch = 0 : i64, scratch_operands = 0 : i64, tpu.core_type = #tpu.core_type<tc>, window_params = [{transform_indices = @transform_0, window_bounds = array<i64: 5000, 128>}, {pipeline_mode = #tpu.pipeline_mode<synchronous>, transform_indices = @transform_1, window_bounds = array<i64: 128, 128>}, {transform_indices = @transform_2, window_bounds = array<i64: 5000, 32>}, {transform_indices = @transform_3, window_bounds = array<i64: 5000, 128>}]} {
    %get3A = arith.constant 0 : index
    %get3A_0 = arith.constant 0 : index
    %get3A_1 = vector.load %arg3[%get3A, %get3A_0] : memref<5000x32xf32, #tpu.memory_space<vmem>>, vector<5000x32xf32>
    %reduce_sum3A = arith.constant dense<0.000000e+00> : vector<5000xf32>
    %reduce_sum3A_2 = vector.multi_reduction <add>, %get3A_1, %reduce_sum3A [1] : vector<5000x32xf32> to vector<5000xf32>
    %add3A = arith.constant 1.000000e+00 : f32
    %add3A_3 = vector.broadcast %add3A : f32 to vector<5000xf32>
    %add3A_4 = arith.addf %reduce_sum3A_2, %add3A_3 : vector<5000xf32>
    %rsqrt3A = math.rsqrt %add3A_4 : vector<5000xf32>
    %get3A_5 = arith.constant 0 : index
    %get3A_6 = arith.constant 0 : index
    %get3A_7 = vector.load %arg1[%get3A_5, %get3A_6] : memref<5000x128xf32, #tpu.memory_space<vmem>>, vector<5000x128xf32>
    %get3A_8 = arith.constant 0 : index
    %get3A_9 = arith.constant 0 : index
    %get3A_10 = vector.load %arg2[%get3A_8, %get3A_9] : memref<128x128xf32, #tpu.memory_space<vmem>>, vector<128x128xf32>
    %dot_general3A = arith.constant dense<0.000000e+00> : vector<5000x128xf32>
    %dot_general3A_11 = tpu.matmul %get3A_7, %get3A_10, %dot_general3A {dimension_numbers = #tpu.dot_dimension_numbers<[1], [0], [0], [1], [0, 0, 1, 1], [], []>, transpose_lhs_hint = false} : vector<5000x128xf32>, vector<128x128xf32>, vector<5000x128xf32> -> vector<5000x128xf32>
    %broadcast_in_dim3A = vector.shape_cast %rsqrt3A : vector<5000xf32> to vector<5000x1xf32>
    %mul3A = vector.broadcast %broadcast_in_dim3A : vector<5000x1xf32> to vector<5000x128xf32>
    %mul3A_12 = arith.mulf %dot_general3A_11, %mul3A : vector<5000x128xf32>
    %swap3A = arith.constant 0 : index
    %swap3A_13 = arith.constant 0 : index
    %swap3A_14 = vector.load %arg4[%swap3A, %swap3A_13] : memref<5000x128xf32, #tpu.memory_space<vmem>>, vector<5000x128xf32>
    tpu.vector_store %arg4[%swap3A, %swap3A_13], %mul3A_12 {strides = array<i32>} : memref<5000x128xf32, #tpu.memory_space<vmem>>, vector<5000x128xf32>,
    return
  }
  func.func @transform_0(%arg0: i32) -> (i32, i32) {
    %c0_i32 = arith.constant 0 : i32
    %c0_i32_0 = arith.constant 0 : i32
    return %arg0, %c0_i32 : i32, i32
  }
  func.func @transform_1(%arg0: i32) -> (i32, i32) {
    %c0_i32 = arith.constant 0 : i32
    %c0_i32_0 = arith.constant 0 : i32
    %c0_i32_1 = arith.constant 0 : i32
    return %c0_i32, %c0_i32_0 : i32, i32
  }
  func.func @transform_2(%arg0: i32) -> (i32, i32) {
    %c0_i32 = arith.constant 0 : i32
    %c0_i32_0 = arith.constant 0 : i32
    return %arg0, %c0_i32 : i32, i32
  }
  func.func @transform_3(%arg0: i32) -> (i32, i32) {
    %c0_i32 = arith.constant 0 : i32
    %c0_i32_0 = arith.constant 0 : i32
    return %arg0, %c0_i32 : i32, i32
  }
}

module attributes {stable_mosaic.version = 14 : i64} {
  func.func @_out_body(%arg0: i32, %arg1: memref<2x5000x128xf32, #tpu.memory_space<vmem>>, %arg2: memref<5000x128xf32, #tpu.memory_space<vmem>>, %arg3: memref<5000x32xf32, #tpu.memory_space<vmem>>, %arg4: memref<1x128xf32, #tpu.memory_space<vmem>>, %arg5: memref<5000x128xf32, #tpu.memory_space<vmem>>) attributes {dimension_semantics = [#tpu.dimension_semantics<arbitrary>], iteration_bounds = array<i64: 2>, scalar_prefetch = 0 : i64, scratch_operands = 0 : i64, tpu.core_type = #tpu.core_type<tc>, window_params = [{transform_indices = @transform_0, window_bounds = array<i64: 2, 5000, 128>}, {transform_indices = @transform_1, window_bounds = array<i64: 5000, 128>}, {transform_indices = @transform_2, window_bounds = array<i64: 5000, 32>}, {pipeline_mode = #tpu.pipeline_mode<synchronous>, transform_indices = @transform_3, window_bounds = array<i64: 1, 128>}, {transform_indices = @transform_4, window_bounds = array<i64: 5000, 128>}]} {
    %get3A = arith.constant 0 : index
    %get3A_0 = arith.constant 0 : index
    %get3A_1 = vector.load %arg3[%get3A, %get3A_0] : memref<5000x32xf32, #tpu.memory_space<vmem>>, vector<5000x32xf32>
    %reduce_sum3A = arith.constant dense<0.000000e+00> : vector<5000xf32>
    %reduce_sum3A_2 = vector.multi_reduction <add>, %get3A_1, %reduce_sum3A [1] : vector<5000x32xf32> to vector<5000xf32>
    %add3A = arith.constant 1.000000e+00 : f32
    %add3A_3 = vector.broadcast %add3A : f32 to vector<5000xf32>
    %add3A_4 = arith.addf %reduce_sum3A_2, %add3A_3 : vector<5000xf32>
    %rsqrt3A = math.rsqrt %add3A_4 : vector<5000xf32>
    %get3A_5 = arith.constant 0 : index
    %get3A_6 = arith.constant 0 : index
    %get3A_7 = arith.constant 0 : index
    %get3A_8 = vector.load %arg1[%get3A_5, %get3A_6, %get3A_7] : memref<2x5000x128xf32, #tpu.memory_space<vmem>>, vector<1x5000x128xf32>
    %get3A_9 = vector.shape_cast %get3A_8 : vector<1x5000x128xf32> to vector<5000x128xf32>
    %get3A_10 = arith.constant 1 : index
    %get3A_11 = arith.constant 0 : index
    %get3A_12 = arith.constant 0 : index
    %get3A_13 = vector.load %arg1[%get3A_10, %get3A_11, %get3A_12] : memref<2x5000x128xf32, #tpu.memory_space<vmem>>, vector<1x5000x128xf32>
    %get3A_14 = vector.shape_cast %get3A_13 : vector<1x5000x128xf32> to vector<5000x128xf32>
    %add3A_15 = arith.addf %get3A_9, %get3A_14 : vector<5000x128xf32>
    %get3A_16 = arith.constant 0 : index
    %get3A_17 = arith.constant 0 : index
    %get3A_18 = vector.load %arg2[%get3A_16, %get3A_17] : memref<5000x128xf32, #tpu.memory_space<vmem>>, vector<5000x128xf32>
    %add3A_19 = arith.addf %add3A_15, %get3A_18 : vector<5000x128xf32>
    %broadcast_in_dim3A = vector.shape_cast %rsqrt3A : vector<5000xf32> to vector<5000x1xf32>
    %mul3A = vector.broadcast %broadcast_in_dim3A : vector<5000x1xf32> to vector<5000x128xf32>
    %mul3A_20 = arith.mulf %add3A_19, %mul3A : vector<5000x128xf32>
    %get3A_21 = arith.constant 0 : index
    %get3A_22 = arith.constant 0 : index
    %get3A_23 = vector.load %arg4[%get3A_21, %get3A_22] : memref<1x128xf32, #tpu.memory_space<vmem>>, vector<1x128xf32>
    %add3A_24 = vector.broadcast %get3A_23 : vector<1x128xf32> to vector<5000x128xf32>
    %add3A_25 = arith.addf %mul3A_20, %add3A_24 : vector<5000x128xf32>
    %reduce_max3A = arith.constant dense<0xFF800000> : vector<5000xf32>
    %reduce_max3A_26 = vector.multi_reduction <maximumf>, %add3A_25, %reduce_max3A [1] : vector<5000x128xf32> to vector<5000xf32>
    %broadcast_in_dim3A_27 = vector.shape_cast %reduce_max3A_26 : vector<5000xf32> to vector<5000x1xf32>
    %sub3A = vector.broadcast %broadcast_in_dim3A_27 : vector<5000x1xf32> to vector<5000x128xf32>
    %sub3A_28 = arith.subf %add3A_25, %sub3A : vector<5000x128xf32>
    %exp3A = math.exp %sub3A_28 : vector<5000x128xf32>
    %reduce_sum3A_29 = arith.constant dense<0.000000e+00> : vector<5000xf32>
    %reduce_sum3A_30 = vector.multi_reduction <add>, %exp3A, %reduce_sum3A_29 [1] : vector<5000x128xf32> to vector<5000xf32>
    %broadcast_in_dim3A_31 = vector.shape_cast %reduce_sum3A_30 : vector<5000xf32> to vector<5000x1xf32>
    %log3A = math.log %broadcast_in_dim3A_31 : vector<5000x1xf32>
    %sub3A_32 = vector.broadcast %log3A : vector<5000x1xf32> to vector<5000x128xf32>
    %sub3A_33 = arith.subf %sub3A_28, %sub3A_32 : vector<5000x128xf32>
    %swap3A = arith.constant 0 : index
    %swap3A_34 = arith.constant 0 : index
    %swap3A_35 = vector.load %arg5[%swap3A, %swap3A_34] : memref<5000x128xf32, #tpu.memory_space<vmem>>, vector<5000x128xf32>
    tpu.vector_store %arg5[%swap3A, %swap3A_34], %sub3A_33 {strides = array<i32>} : memref<5000x128xf32, #tpu.memory_space<vmem>>, vector<5000x128xf32>,
    return
  }
  func.func @transform_0(%arg0: i32) -> (i32, i32, i32) {
    %c0_i32 = arith.constant 0 : i32
    %c0_i32_0 = arith.constant 0 : i32
    %c0_i32_1 = arith.constant 0 : i32
    return %c0_i32, %arg0, %c0_i32_0 : i32, i32, i32
  }
  func.func @transform_1(%arg0: i32) -> (i32, i32) {
    %c0_i32 = arith.constant 0 : i32
    %c0_i32_0 = arith.constant 0 : i32
    return %arg0, %c0_i32 : i32, i32
  }
  func.func @transform_2(%arg0: i32) -> (i32, i32) {
    %c0_i32 = arith.constant 0 : i32
    %c0_i32_0 = arith.constant 0 : i32
    return %arg0, %c0_i32 : i32, i32
  }
  func.func @transform_3(%arg0: i32) -> (i32, i32) {
    %c0_i32 = arith.constant 0 : i32
    %c0_i32_0 = arith.constant 0 : i32
    %c0_i32_1 = arith.constant 0 : i32
    return %c0_i32, %c0_i32_0 : i32, i32
  }
  func.func @transform_4(%arg0: i32) -> (i32, i32) {
    %c0_i32 = arith.constant 0 : i32
    %c0_i32_0 = arith.constant 0 : i32
    return %arg0, %c0_i32 : i32, i32
  }
}

</mosaic_0001>

<sc_bundles>
// kernel: kernel.6.cloned.1.call-start
scs
__scs_entry_jumppad:
0x0: {  	(pc) =	sbr.rel $0x88, $3  }
0x1: {  	(tag) =	ssettag $0x0;
	lr =	simm.s32 $0x1  }
0x2: {  	[smem:$0x3F9D] =	sst lr;
	_ =	strace $0xD0000000  }
0x3: {  	_ = 	snop  }
0x4: {  	_ = 	snop  }
0x5: {  	_ = 	snop  }
0x6: {  	_ = 	snop  }
0x7: {  	_ = 	snop  }
__scs_overlays_trampoline_lowered:
0x8: {  	[smem:$0x3FAC] =	sst s0  }
0x9: {  	[smem:$0x3FAD] =	sst s1  }
0xa: {  	[smem:$0x3FAE] =	sst s2  }
0xb: {  	[smem:$0x3FAF] =	sst s3  }
0xc: {  	[smem:$0x3FB0] =	sst s4  }
0xd: {  	[smem:$0x3FB1] =	sst s5  }
0xe: {  	[smem:$0x3FB2] =	sst s6  }
0xf: {  	[smem:$0x3FB3] =	sst s7  }
0x10: {  	[smem:$0x3FB4] =	sst s8  }
0x11: {  	[smem:$0x3FB5] =	sst s9;
	s0 =	simm.s32 @!p0 $0x0  }
0x12: {  	s1 =	sld [smem:$0x3F9B];
	s0 =	simm.s32 @p0 $0x1  }
0x13: {  	[smem:$0x3FB6] =	sst s0;
	s0 =	simm.s32 @!p1 $0x0  }
0x14: {  	s2 =	sld [smem:$0x3F9A];
	s0 =	simm.s32 @p1 $0x1  }
0x15: {  	[smem:$0x3FB7] =	sst s0;
	s0 =	simm.s32 @!p2 $0x0  }
0x16: {  	s3 =	sld [smem:$0x3FDB];
	s0 =	simm.s32 @p2 $0x1  }
0x17: {  	s4 =	simm.s32 $0x1BF5;
	[smem:$0x3FB9] =	sst s0  }
0x18: {  	s0 =	sld [smem:$0x3F9C];
	_ =	swait.ge [sflag:s4], $0x0  }
0x19: {  	s7 =	sld [smem:$0x3F9D]  }
0x1a: {  	s8 =	sadd.s32 $0xFFFFE003, lr  }
0x1b: {  	s9 =	sadd.s32 $0xFFFFFEF7, lr;
	s5 =	simm.s32 $0xFFFFFFFF;
	p2 =	slt.u32 s8, $0xFFFFF086  }
0x1c: {  	p1 =	slt.u32 s9, $0xF7A;
	s5 =	simm.s32 @!p2 $0x0  }
0x1d: {  	s5 =	simm.s32 @p1 $0x1;
	p0 =	seq.s32 s7, s2  }
0x1e: {  	s7 =	smul.u32 @!p0 $0xF7A, s2;
	p2 =	seq.s32 @!p0 s5, $0x0  }
0x1f: {  	s9 =	smul.u32 $0xF7A, s1;
	s8 =	simm.s32 @!p0 $0x1BF5;
	p2 =	por !p2, p0  }
0x20: {  	[sflag:s8] =	ssyncset.s32 @!p0 $0xFFFFF086;
	s6 =	sadd.s32 @!p0 s3, s7;
	s7 =	simm.s32 @!p0 $0x108  }
0x21: {  	s3 =	sadd.s32 s3, s9;
	s6 =	sadd.s32 @!p0 $0x88, s6;
	s7 =	simm.s32 @p2 $0x1082  }
0x22: {  	[simem:s7], [sflag:s8] =	dma.local @!p0 [hbm:s6], $0xF7A  }
0x23: {  	s9 =	sor.u32 $0xD0000000, s2;
	s6 =	simm.s32 $0x108;
	_ =	swait.ge @!p0 [sflag:s8], $0x0  }
0x24: {  	s3 =	sadd.s32 $0x88, s3;
	s6 =	simm.s32 @!p1 $0x1082;
	[sflag:s4] =	ssyncset.s32 $0xFFFFF086  }
0x25: {  	[simem:s6], [sflag:s4] =	dma.local [hbm:s3], $0xF7A  }
0x26: {  	[smem:$0x3F9D] =	sst s1;
	(tag) =	ssettag s2;
	_ =	strace s9  }
0x27: {  	s1 =	sld [smem:$0x3FAD]  }
0x28: {  	s2 =	sld [smem:$0x3FAE]  }
0x29: {  	s4 =	sld [smem:$0x3FB0]  }
0x2a: {  	p0 =	seq.s32 s5, $0x0;
	s5 =	sld [smem:$0x3FB1]  }
0x2b: {  	s6 =	sld [smem:$0x3FB2]  }
0x2c: {  	s7 =	sld [smem:$0x3FB3]  }
0x2d: {  	s3 =	simm.s32 $0x108;
	s8 =	sld [smem:$0x3FB4]  }
0x2e: {  	s3 =	simm.s32 @!p0 $0x1082;
	s9 =	sld [smem:$0x3FB5]  }
0x2f: {  	lr =	sadd.s32 s0, s3;
	s0 =	sld [smem:$0x3FAC]  }
0x30: {  	s3 =	sld [smem:$0x3FAF]  }
0x31: {  	[smem:$0x3FB8] =	sst s10  }
0x32: {  	s10 =	sld [smem:$0x3FB6];
	_ =	sdelay $0x3  }
0x33: {  	p0 =	seq.s32 s10, $0x1;
	s10 =	sld [smem:$0x3FB8];
	_ =	sdelay $0x3  }
0x34: {  	[smem:$0x3FB8] =	sst s10  }
0x35: {  	s10 =	sld [smem:$0x3FB7];
	_ =	sdelay $0x3  }
0x36: {  	p1 =	seq.s32 s10, $0x1;
	s10 =	sld [smem:$0x3FB8];
	_ =	sdelay $0x3  }
0x37: {  	[smem:$0x3FB8] =	sst s10  }
0x38: {  	s10 =	sld [smem:$0x3FB9]  }
0x39: {  	_ = 	snop;
	(pc) =	sbr.ind lr, $3  }
0x3a: {  	_ = 	snop  }
0x3b: {  	_ = 	snop  }
0x3c: {  	p2 =	seq.s32 s10, $0x1;
	s10 =	sld [smem:$0x3FB8]  }
0x3d: {  	_ =	shalt  }
0x3e: {  	_ =	shalt  }
0x3f: {  	_ =	shalt  }
0x40: {  	_ =	shalt  }
0x41: {  	_ =	shalt  }
0x42: {  	_ =	shalt  }
0x43: {  	_ =	shalt  }
0x44: {  	_ =	shalt  }
0x45: {  	_ =	shalt  }
0x46: {  	_ =	shalt  }
0x47: {  	_ =	shalt  }
0x48: {  	_ =	shalt  }
0x49: {  	_ =	shalt  }
0x4a: {  	_ =	shalt  }
0x4b: {  	_ =	shalt  }
0x4c: {  	_ =	shalt  }
0x4d: {  	_ =	shalt  }
0x4e: {  	_ =	shalt  }
0x4f: {  	_ =	shalt  }
0x50: {  	_ =	shalt  }
0x51: {  	_ =	shalt  }
0x52: {  	_ =	shalt  }
0x53: {  	_ =	shalt  }
0x54: {  	_ =	shalt  }
0x55: {  	_ =	shalt  }
0x56: {  	_ =	shalt  }
0x57: {  	_ =	shalt  }
0x58: {  	_ =	shalt  }
0x59: {  	_ =	shalt  }
0x5a: {  	_ =	shalt  }
0x5b: {  	_ =	shalt  }
0x5c: {  	_ =	shalt  }
0x5d: {  	_ =	shalt  }
0x5e: {  	_ =	shalt  }
0x5f: {  	_ =	shalt  }
0x60: {  	_ =	shalt  }
0x61: {  	_ =	shalt  }
0x62: {  	_ =	shalt  }
0x63: {  	_ =	shalt  }
0x64: {  	_ =	shalt  }
0x65: {  	_ =	shalt  }
0x66: {  	_ =	shalt  }
0x67: {  	_ =	shalt  }
0x68: {  	_ =	shalt  }
0x69: {  	_ =	shalt  }
0x6a: {  	_ =	shalt  }
0x6b: {  	_ =	shalt  }
0x6c: {  	_ =	shalt  }
0x6d: {  	_ =	shalt  }
0x6e: {  	_ =	shalt  }
0x6f: {  	_ =	shalt  }
0x70: {  	_ =	shalt  }
0x71: {  	_ =	shalt  }
0x72: {  	_ =	shalt  }
0x73: {  	_ =	shalt  }
0x74: {  	_ =	shalt  }
0x75: {  	_ =	shalt  }
0x76: {  	_ =	shalt  }
0x77: {  	_ =	shalt  }
0x78: {  	_ =	shalt  }
0x79: {  	_ =	shalt  }
0x7a: {  	_ =	shalt  }
0x7b: {  	_ =	shalt  }
0x7c: {  	_ =	shalt  }
0x7d: {  	_ =	shalt  }
0x7e: {  	_ =	shalt  }
0x7f: {  	_ =	shalt  }
0x80: {  	_ =	shalt  }
0x81: {  	_ =	shalt  }
0x82: {  	_ =	shalt  }
0x83: {  	_ =	shalt  }
0x84: {  	_ =	shalt  }
0x85: {  	_ =	shalt  }
0x86: {  	_ =	shalt  }
0x87: {  	_ =	shalt  }
.Lfunc_end0:
.L_simem_size_0:
called_computation_lowered:
.L_overlay_start_0:
0x88: {  	s2 =	sld [smem:$0x3FD9]  }
0x89: {  	s3 =	sld [smem:$0x3FFE];
	_ =	sdelay $0x1  }
0x8a: {  	s1 =	srdreg.scid  }
0x8b: {  	s0 =	sand.u32 $0x1, s1  }
0x8c: {  	s17 =	sshll.u32 s0, $0xA;
	s2 =	sadd.s32 s3, s2  }
0x8d: {  	s2 =	sadd.s32 s2, s17  }
0x8e: {  	[smem:$0x3FC4] =	sst s2  }
0x8f: {  	_ = 	snop  }
0x90: {  	s2 =	sld [smem:$0x3FD0];
	(tm) =	ssettm $0x1  }
0x91: {  	s18 =	sld [smem:$0x3FFB];
	_ =	sdelay $0x3  }
0x92: {  	_ =	strace s18  }
0x93: {  	s3 =	sld [smem:$0x3FFC];
	_ =	sdelay $0x3  }
0x94: {  	_ =	strace s3  }
0x95: {  	s3 =	sld [smem:$0x3FFD];
	_ =	sdelay $0x3  }
0x96: {  	_ =	strace s3  }
0x97: {  	_ =	strace $0x8FFFFFFF  }
0x98: {  	s19 =	sld [smem:$0x3FDB];
	_ =	sdelay $0x1  }
0x99: {  	s4 =	simm.s32 $_scs_section_size  }
0x9a: {  	s5 =	simm.s32 $_size__tile_overlayer_lowered;
	s6 =	simm.s32 $_tile_overlayer_lowered  }
0x9b: {  	s22 =	simm.s32 $0x1BFF;
	s21 =	sshll.u32 s6, $0x1;
	s3 =	sadd.s32 s4, s19  }
0x9c: {  	s7 =	simm.s32 $0x0;
	s20 =	sshll.u32 s5, $0x1;
	s5 =	sadd.s32 s21, s3  }
0x9d: {  	[timem:s7], [sflag:s22] =	dma.local [hbm:s5], s20  }
0x9e: {  	_ =	swait.ge [sflag:s22], s20  }
0x9f: {  	s4 =	ssub.s32 $0x0, s20;
	[sflag:s22] =	ssyncset.done $0x0  }
0xa0: {  	[sflag:s22] =	ssyncadd.s32 s4;
	_ =	sdelay $0x1  }
0xa1: {  	s23 =	simm.s32 $0x1B8B  }
0xa2: {  	_ =	swait.ge [sflag:s23], $0x1  }
0xa3: {  	[sflag:s23] =	ssyncset.done $0x0  }
0xa4: {  	s25 =	simm.s32 $0x1B8E;
	s24 =	sld [smem:$0x3FFE];
	[sflag:s23] =	ssyncadd.s32 $0xFFFFFFFF  }
0xa5: {  	s26 =	simm.s32 $execute0_lowered;
	[smem:$0x3FD2] =	sst s25  }
0xa6: {  	s5 =	sshll.u32 s26, $0x1;
	_ =	strace $0x80000046;
	[dreg:$0x1] =	wrdreg $0xFFFFFFFF  }
0xa7: {  	s28 =	simm.s32 $_size_execute0_lowered;
	s3 =	sadd.s32 s3, s5;
	[dreg:$0x0] =	wrdreg $0x0  }
0xa8: {  	s5 =	sshll.u32 s28, $0x1;
	[dreg:$0x2] =	wrdreg s3  }
0xa9: {  	[dreg:$0x3] =	wrdreg s5  }
0xaa: {  	[dreg:$0x4] =	wrdreg $0xC0  }
0xab: {  	_ =	task [dreg:s7], $0x5FFFF  }
0xac: {  	[dreg:$0x1] =	wrdreg $0xFFFFFFFF  }
0xad: {  	[dreg:$0x0] =	wrdreg $0x60  }
0xae: {  	[dreg:$0x2] =	wrdreg s24  }
0xaf: {  	[dreg:$0x3] =	wrdreg s2  }
0xb0: {  	[dreg:$0x4] =	wrdreg $0x9  }
0xb1: {  	_ =	task.clear_ibuf [dreg:s7], $0x5FFFF;
	_ =	strace $0x90000046  }
0xb2: {  	s29 =	simm.s32 $0x9;
	_ =	strace $0x80000048  }
0xb3: {  	_ =	swait.ge [sflag:s29], $0x1  }
0xb4: {  	[sflag:s29] =	ssyncadd.s32 $0xFFFFFFFF  }
0xb5: {  	_ =	strace $0x90000048  }
0xb6: {  	_ =	sfence  }
0xb7: {  	s30 =	sld [smem:$0x0];
	_ =	sdelay $0x2  }
0xb8: {  	s31 =	sshll.u32 s1, $0xD;
	s1 =	sshrl.u32 s1, $0x2  }
0xb9: {  	s3 =	sand.u32 $0x4000, s31;
	s1 =	sadd.s32 s1, s30  }
0xba: {  	s0 =	sor.u32 s3, s0;
	s1 =	sshll.u32 s1, $0x11  }
0xbb: {  	s0 =	sor.u32 s1, s0  }
0xbc: {  	s0 =	sadd.s32 $0x8F2B, s0  }
0xbd: {  	[sflag:s0] =	ssyncadd.remote.s32 $0x1  }
0xbe: {  	_ =	sfence.sel $0xFFFF  }
0xbf: {  	[dreg:$0x0] =	wrdreg $0xFFFFFFFF;
	(pc) =	sbr.abs _section_cstart, $3  }
0xc0: {  	[dreg:$0x1] =	wrdreg $0xFFFFFFFF  }
0xc1: {  	_ =	task.clear_ibuf [dreg:s7], $0x2FFFF;
	_ =	strace $0x9FFFFFFF  }
0xc2: {  	(tm) =	ssettm $0x7FFFFFFF  }
0xc3: {  	_ =	shalt  }
tec
execute0_lowered:
.L_overlay_start_1:
0x0: {  	(tag) =	ssettag $0x1  }
0x1: {  	s0 =	srdreg.scid  }
0x2: {  	s3 =	rddreg [dreg:$0x0];
	s4 =	sand.u32 $0x1, s0  }
0x3: {  	s5 =	rddreg [dreg:$0x1];
	s1 =	stileid.u32;
	s2 =	sshll.u32 s4, $0x4  }
0x4: {  	s0 =	rddreg [dreg:$0x2];
	s6 =	sor.u32 s1, s2  }
0x5: {  	s4 =	ssub.s32 $0x2, s4;
	s2 =	simm.s32 $0x0;
	s7 =	smul.u32 $0x4E2, s6  }
0x6: {  	s8 =	sshrl.u32 s4, $0x1;
	[smem:$0x7FF] =	sst s2;
	s6 =	smul.u32 $0x500, s6  }
0x7: {  	s31 =	ssub.s32 s4, s8;
	s8 =	simm.s32 $0x0;
	_ =	strace $0x80000047  }
0x8: {  	s3 =	sadd.s32 s7, s3;
	s4 =	sadd.s32 s5, s6;
	s5 =	smax.u32 s31, $0x1  }
0x9: {  	v0 =	vimm.f32 $0.0e+00;
	v1 =	vimm.f32 $1.000000000e+00;
	s6 =	simm.s32 $0x1;
	s7 =	simm.s32 $0x2780;
	s3 =	sadd.s32 $0xB600, s3  }
.LBB2_1:
0xa: {  	[tilespmem:s2], [sflag:$0x1] =	stream.linear.gather [hbm4b:s3+s2], $0x2710, $0x38;
	[tilespmem:$0x4F80] =	vst v63  }
0xb: {  	_ =	swait.ge [sflag:s6], $0x2710  }
0xc: {  	[sflag:s6] =	ssyncset.done $0x0  }
0xd: {  	s10 =	simm.s32 $0x140;
	s9 =	simm.s32 $0x0;
	[sflag:s6] =	ssyncadd.s32 $0xFFFFD8F0  }
.LBB2_2:
0xe: {  	p0 =	sne.s32 s10, $0x9EC0;
	[tilespmem:s9+$0x27C0] =	vst v0;
	s11 =	smov.u32 s10;
	s10 =	sadd.s32 $0x140, s10  }
.Ltmp0:
0xf: {  	[tilespmem:s9+$0x27B0] =	vst v0;
	(pc) =	sbr.rel @p0 .LBB2_2-.Ltmp0, $4  }
0x10: {  	[tilespmem:s9+$0x27A0] =	vst v0  }
0x11: {  	[tilespmem:s9+$0x2780] =	vst v0  }
0x12: {  	[tilespmem:s9+$0x2790] =	vst v0  }
0x13: {  	s9 =	sshra.s32 s11, $0x2  }
0x14: {  	[tilespmem:s9+$0x27C0] =	vst v0  }
0x15: {  	[tilespmem:s9+$0x27B0] =	vst v0  }
0x16: {  	[tilespmem:s9+$0x27A0] =	vst v0  }
0x17: {  	[tilespmem:s9+$0x2780] =	vst v0  }
0x18: {  	[tilespmem:s9+$0x2790] =	vst v0;
	s9 =	simm.s32 $0x0  }
.LBB2_4:
0x19: {  	s10 =	sshra.s32 s9, $0x2  }
0x1a: {  	v2 =	vld [tilespmem:s10+$0x0];
	_ =	sdelay $0x7  }
0x1b: {  	[tilespmem:v2+s7+$0x0] =	vst.idx.add.f32.msk $0xffff, v1  }
0x1c: {  	v2 =	vld [tilespmem:s10+$0x10];
	_ =	sdelay $0x7  }
0x1d: {  	[tilespmem:v2+s7+$0x0] =	vst.idx.add.f32.msk $0xffff, v1  }
0x1e: {  	v2 =	vld [tilespmem:s10+$0x20];
	_ =	sdelay $0x7  }
0x1f: {  	[tilespmem:v2+s7+$0x0] =	vst.idx.add.f32.msk $0xffff, v1  }
0x20: {  	v2 =	vld [tilespmem:s10+$0x30];
	_ =	sdelay $0x7  }
0x21: {  	[tilespmem:v2+s7+$0x0] =	vst.idx.add.f32.msk $0xffff, v1  }
0x22: {  	v2 =	vld [tilespmem:s10+$0x40];
	_ =	sdelay $0x2  }
0x23: {  	p0 =	sne.s32 s9, $0x9B00  }
.Ltmp1:
0x24: {  	_ = 	snop;
	(pc) =	sbr.rel @p0 .LBB2_4-.Ltmp1, $2  }
0x25: {  	_ =	sdelay $0x2  }
0x26: {  	s9 =	sadd.s32 $0x140, s9;
	[tilespmem:v2+s7+$0x0] =	vst.idx.add.f32.msk $0xffff, v1  }
0x27: {  	s8 =	sadd.s32 $0x1, s8  }
0x28: {  	p0 =	sne.s32 s8, s5  }
.Ltmp2:
0x29: {  	_ = 	snop;
	(pc) =	sbr.rel @p0 .LBB2_1-.Ltmp2, $4  }
0x2a: {  	[hbm4b:s4+s2] =	stream.linear.scatter [tilespmem:s7], [sflag:$0x1], $0x2800, $0x38;
	[tilespmem:$0x4F80] =	vst v63  }
0x2b: {  	_ =	swait.ge [sflag:s6], $0x2800  }
0x2c: {  	[sflag:s6] =	ssyncset.done $0x0  }
0x2d: {  	[sflag:s6] =	ssyncadd.s32 $0xFFFFD800  }
0x2e: {  	_ =	sfence.sel $0x180000  }
0x2f: {  	[bflag:$0x0] =	sbarrier.arrive $0xFFFF  }
0x30: {  	p0 =	sne.s32 s1, $0x0;
	_ =	strace $0x90000047  }
0x31: {  	s0 =	sadd.s32 @!p0 $0x100000, s0;
	[bflag:$0x2] =	sbarrier.arrive $0xFFFF  }
0x32: {  	[sflag:s0] =	ssyncadd.tile.s32 @!p0 $0x1;
	_ =	shalt  }
.Lfunc_end2:
_tile_overlayer_lowered:
.L_overlay_start_2:
0x33: {  	(tag) =	ssettag $0x2  }
0x34: {  	s0 =	rddreg [dreg:$0x0];
	s2 =	stileid.u32  }
0x35: {  	s1 =	rddreg [dreg:$0x1];
	p0 =	sne.s32 s2, $0x0  }
0x36: {  	s3 =	rddreg [dreg:$0x2];
	[bflag:$0x3] =	sbarrier.arrive $0xFFFF;
	s2 =	simm.s32 @!p0 $0x1C01  }
0x37: {  	[timem:s3], [sflag:s2] =	dma.local @!p0 [hbm:s0], s1  }
0x38: {  	s0 =	simm.s32 @!p0 $0x1  }
0x39: {  	_ =	swait.ge @!p0 [sflag:s0], s1  }
0x3a: {  	s1 =	ssub.s32 @!p0 $0x0, s1;
	[sflag:s0] =	ssyncset.done @!p0 $0x0  }
0x3b: {  	[sflag:s0] =	ssyncadd.s32 @!p0 s1  }
0x3c: {  	[bflag:$0x3] =	sbarrier.arrive $0xFFFF  }
0x3d: {  	_ =	shalt  }

// kernel: kernel.9.cloned.1.call-start
scs
__scs_entry_jumppad:
0x0: {  	(pc) =	sbr.rel $0x88, $3  }
0x1: {  	(tag) =	ssettag $0x0;
	lr =	simm.s32 $0x1  }
0x2: {  	[smem:$0x3F9D] =	sst lr;
	_ =	strace $0xD0000000  }
0x3: {  	_ = 	snop  }
0x4: {  	_ = 	snop  }
0x5: {  	_ = 	snop  }
0x6: {  	_ = 	snop  }
0x7: {  	_ = 	snop  }
__scs_overlays_trampoline_lowered:
0x8: {  	[smem:$0x3FAC] =	sst s0  }
0x9: {  	[smem:$0x3FAD] =	sst s1  }
0xa: {  	[smem:$0x3FAE] =	sst s2  }
0xb: {  	[smem:$0x3FAF] =	sst s3  }
0xc: {  	[smem:$0x3FB0] =	sst s4  }
0xd: {  	[smem:$0x3FB1] =	sst s5  }
0xe: {  	[smem:$0x3FB2] =	sst s6  }
0xf: {  	[smem:$0x3FB3] =	sst s7  }
0x10: {  	[smem:$0x3FB4] =	sst s8  }
0x11: {  	[smem:$0x3FB5] =	sst s9;
	s0 =	simm.s32 @!p0 $0x0  }
0x12: {  	s1 =	sld [smem:$0x3F9B];
	s0 =	simm.s32 @p0 $0x1  }
0x13: {  	[smem:$0x3FB6] =	sst s0;
	s0 =	simm.s32 @!p1 $0x0  }
0x14: {  	s2 =	sld [smem:$0x3F9A];
	s0 =	simm.s32 @p1 $0x1  }
0x15: {  	[smem:$0x3FB7] =	sst s0;
	s0 =	simm.s32 @!p2 $0x0  }
0x16: {  	s3 =	sld [smem:$0x3FDB];
	s0 =	simm.s32 @p2 $0x1  }
0x17: {  	s4 =	simm.s32 $0x1BF5;
	[smem:$0x3FB9] =	sst s0  }
0x18: {  	s0 =	sld [smem:$0x3F9C];
	_ =	swait.ge [sflag:s4], $0x0  }
0x19: {  	s7 =	sld [smem:$0x3F9D]  }
0x1a: {  	s8 =	sadd.s32 $0xFFFFE003, lr  }
0x1b: {  	s9 =	sadd.s32 $0xFFFFFEF7, lr;
	s5 =	simm.s32 $0xFFFFFFFF;
	p2 =	slt.u32 s8, $0xFFFFF086  }
0x1c: {  	p1 =	slt.u32 s9, $0xF7A;
	s5 =	simm.s32 @!p2 $0x0  }
0x1d: {  	s5 =	simm.s32 @p1 $0x1;
	p0 =	seq.s32 s7, s2  }
0x1e: {  	s7 =	smul.u32 @!p0 $0xF7A, s2;
	p2 =	seq.s32 @!p0 s5, $0x0  }
0x1f: {  	s9 =	smul.u32 $0xF7A, s1;
	s8 =	simm.s32 @!p0 $0x1BF5;
	p2 =	por !p2, p0  }
0x20: {  	[sflag:s8] =	ssyncset.s32 @!p0 $0xFFFFF086;
	s6 =	sadd.s32 @!p0 s3, s7;
	s7 =	simm.s32 @!p0 $0x108  }
0x21: {  	s3 =	sadd.s32 s3, s9;
	s6 =	sadd.s32 @!p0 $0x88, s6;
	s7 =	simm.s32 @p2 $0x1082  }
0x22: {  	[simem:s7], [sflag:s8] =	dma.local @!p0 [hbm:s6], $0xF7A  }
0x23: {  	s9 =	sor.u32 $0xD0000000, s2;
	s6 =	simm.s32 $0x108;
	_ =	swait.ge @!p0 [sflag:s8], $0x0  }
0x24: {  	s3 =	sadd.s32 $0x88, s3;
	s6 =	simm.s32 @!p1 $0x1082;
	[sflag:s4] =	ssyncset.s32 $0xFFFFF086  }
0x25: {  	[simem:s6], [sflag:s4] =	dma.local [hbm:s3], $0xF7A  }
0x26: {  	[smem:$0x3F9D] =	sst s1;
	(tag) =	ssettag s2;
	_ =	strace s9  }
0x27: {  	s1 =	sld [smem:$0x3FAD]  }
0x28: {  	s2 =	sld [smem:$0x3FAE]  }
0x29: {  	s4 =	sld [smem:$0x3FB0]  }
0x2a: {  	p0 =	seq.s32 s5, $0x0;
	s5 =	sld [smem:$0x3FB1]  }
0x2b: {  	s6 =	sld [smem:$0x3FB2]  }
0x2c: {  	s7 =	sld [smem:$0x3FB3]  }
0x2d: {  	s3 =	simm.s32 $0x108;
	s8 =	sld [smem:$0x3FB4]  }
0x2e: {  	s3 =	simm.s32 @!p0 $0x1082;
	s9 =	sld [smem:$0x3FB5]  }
0x2f: {  	lr =	sadd.s32 s0, s3;
	s0 =	sld [smem:$0x3FAC]  }
0x30: {  	s3 =	sld [smem:$0x3FAF]  }
0x31: {  	[smem:$0x3FB8] =	sst s10  }
0x32: {  	s10 =	sld [smem:$0x3FB6];
	_ =	sdelay $0x3  }
0x33: {  	p0 =	seq.s32 s10, $0x1;
	s10 =	sld [smem:$0x3FB8];
	_ =	sdelay $0x3  }
0x34: {  	[smem:$0x3FB8] =	sst s10  }
0x35: {  	s10 =	sld [smem:$0x3FB7];
	_ =	sdelay $0x3  }
0x36: {  	p1 =	seq.s32 s10, $0x1;
	s10 =	sld [smem:$0x3FB8];
	_ =	sdelay $0x3  }
0x37: {  	[smem:$0x3FB8] =	sst s10  }
0x38: {  	s10 =	sld [smem:$0x3FB9]  }
0x39: {  	_ = 	snop;
	(pc) =	sbr.ind lr, $3  }
0x3a: {  	_ = 	snop  }
0x3b: {  	_ = 	snop  }
0x3c: {  	p2 =	seq.s32 s10, $0x1;
	s10 =	sld [smem:$0x3FB8]  }
0x3d: {  	_ =	shalt  }
0x3e: {  	_ =	shalt  }
0x3f: {  	_ =	shalt  }
0x40: {  	_ =	shalt  }
0x41: {  	_ =	shalt  }
0x42: {  	_ =	shalt  }
0x43: {  	_ =	shalt  }
0x44: {  	_ =	shalt  }
0x45: {  	_ =	shalt  }
0x46: {  	_ =	shalt  }
0x47: {  	_ =	shalt  }
0x48: {  	_ =	shalt  }
0x49: {  	_ =	shalt  }
0x4a: {  	_ =	shalt  }
0x4b: {  	_ =	shalt  }
0x4c: {  	_ =	shalt  }
0x4d: {  	_ =	shalt  }
0x4e: {  	_ =	shalt  }
0x4f: {  	_ =	shalt  }
0x50: {  	_ =	shalt  }
0x51: {  	_ =	shalt  }
0x52: {  	_ =	shalt  }
0x53: {  	_ =	shalt  }
0x54: {  	_ =	shalt  }
0x55: {  	_ =	shalt  }
0x56: {  	_ =	shalt  }
0x57: {  	_ =	shalt  }
0x58: {  	_ =	shalt  }
0x59: {  	_ =	shalt  }
0x5a: {  	_ =	shalt  }
0x5b: {  	_ =	shalt  }
0x5c: {  	_ =	shalt  }
0x5d: {  	_ =	shalt  }
0x5e: {  	_ =	shalt  }
0x5f: {  	_ =	shalt  }
0x60: {  	_ =	shalt  }
0x61: {  	_ =	shalt  }
0x62: {  	_ =	shalt  }
0x63: {  	_ =	shalt  }
0x64: {  	_ =	shalt  }
0x65: {  	_ =	shalt  }
0x66: {  	_ =	shalt  }
0x67: {  	_ =	shalt  }
0x68: {  	_ =	shalt  }
0x69: {  	_ =	shalt  }
0x6a: {  	_ =	shalt  }
0x6b: {  	_ =	shalt  }
0x6c: {  	_ =	shalt  }
0x6d: {  	_ =	shalt  }
0x6e: {  	_ =	shalt  }
0x6f: {  	_ =	shalt  }
0x70: {  	_ =	shalt  }
0x71: {  	_ =	shalt  }
0x72: {  	_ =	shalt  }
0x73: {  	_ =	shalt  }
0x74: {  	_ =	shalt  }
0x75: {  	_ =	shalt  }
0x76: {  	_ =	shalt  }
0x77: {  	_ =	shalt  }
0x78: {  	_ =	shalt  }
0x79: {  	_ =	shalt  }
0x7a: {  	_ =	shalt  }
0x7b: {  	_ =	shalt  }
0x7c: {  	_ =	shalt  }
0x7d: {  	_ =	shalt  }
0x7e: {  	_ =	shalt  }
0x7f: {  	_ =	shalt  }
0x80: {  	_ =	shalt  }
0x81: {  	_ =	shalt  }
0x82: {  	_ =	shalt  }
0x83: {  	_ =	shalt  }
0x84: {  	_ =	shalt  }
0x85: {  	_ =	shalt  }
0x86: {  	_ =	shalt  }
0x87: {  	_ =	shalt  }
.Lfunc_end0:
.L_simem_size_0:
called_computation.1_lowered:
.L_overlay_start_0:
0x88: {  	s2 =	sld [smem:$0x3FD9]  }
0x89: {  	s3 =	sld [smem:$0x3FFE];
	_ =	sdelay $0x1  }
0x8a: {  	s1 =	srdreg.scid  }
0x8b: {  	s0 =	sand.u32 $0x1, s1  }
0x8c: {  	s17 =	sshll.u32 s0, $0xA;
	s2 =	sadd.s32 s3, s2  }
0x8d: {  	s2 =	sadd.s32 s2, s17  }
0x8e: {  	[smem:$0x3FC4] =	sst s2  }
0x8f: {  	_ = 	snop  }
0x90: {  	s2 =	sld [smem:$0x3FD0];
	(tm) =	ssettm $0x1  }
0x91: {  	s18 =	sld [smem:$0x3FFB];
	_ =	sdelay $0x3  }
0x92: {  	_ =	strace s18  }
0x93: {  	s3 =	sld [smem:$0x3FFC];
	_ =	sdelay $0x3  }
0x94: {  	_ =	strace s3  }
0x95: {  	s3 =	sld [smem:$0x3FFD];
	_ =	sdelay $0x3  }
0x96: {  	_ =	strace s3  }
0x97: {  	_ =	strace $0x8FFFFFFF  }
0x98: {  	s19 =	sld [smem:$0x3FDB];
	_ =	sdelay $0x1  }
0x99: {  	s4 =	simm.s32 $_scs_section_size  }
0x9a: {  	s5 =	simm.s32 $_size__tile_overlayer_lowered;
	s6 =	simm.s32 $_tile_overlayer_lowered  }
0x9b: {  	s22 =	simm.s32 $0x1BFF;
	s21 =	sshll.u32 s6, $0x1;
	s3 =	sadd.s32 s4, s19  }
0x9c: {  	s7 =	simm.s32 $0x0;
	s20 =	sshll.u32 s5, $0x1;
	s5 =	sadd.s32 s21, s3  }
0x9d: {  	[timem:s7], [sflag:s22] =	dma.local [hbm:s5], s20  }
0x9e: {  	_ =	swait.ge [sflag:s22], s20  }
0x9f: {  	s4 =	ssub.s32 $0x0, s20;
	[sflag:s22] =	ssyncset.done $0x0  }
0xa0: {  	[sflag:s22] =	ssyncadd.s32 s4;
	_ =	sdelay $0x1  }
0xa1: {  	s23 =	simm.s32 $0x1B8B  }
0xa2: {  	_ =	swait.ge [sflag:s23], $0x1  }
0xa3: {  	[sflag:s23] =	ssyncset.done $0x0  }
0xa4: {  	s25 =	simm.s32 $0x1B8E;
	s24 =	sld [smem:$0x3FFE];
	[sflag:s23] =	ssyncadd.s32 $0xFFFFFFFF  }
0xa5: {  	s26 =	simm.s32 $execute0_lowered;
	[smem:$0x3FD2] =	sst s25  }
0xa6: {  	s5 =	sshll.u32 s26, $0x1;
	_ =	strace $0x80000049;
	[dreg:$0x1] =	wrdreg $0xFFFFFFFF  }
0xa7: {  	s28 =	simm.s32 $_size_execute0_lowered;
	s3 =	sadd.s32 s3, s5;
	[dreg:$0x0] =	wrdreg $0x0  }
0xa8: {  	s5 =	sshll.u32 s28, $0x1;
	[dreg:$0x2] =	wrdreg s3  }
0xa9: {  	[dreg:$0x3] =	wrdreg s5  }
0xaa: {  	[dreg:$0x4] =	wrdreg $0xC0  }
0xab: {  	_ =	task [dreg:s7], $0x5FFFF  }
0xac: {  	[dreg:$0x1] =	wrdreg $0xFFFFFFFF  }
0xad: {  	[dreg:$0x0] =	wrdreg $0x60  }
0xae: {  	[dreg:$0x2] =	wrdreg s2  }
0xaf: {  	[dreg:$0x3] =	wrdreg s24  }
0xb0: {  	[dreg:$0x4] =	wrdreg $0xA4000  }
0xb1: {  	[dreg:$0x5] =	wrdreg $0x9  }
0xb2: {  	_ =	task.clear_ibuf [dreg:s7], $0x6FFFF;
	_ =	strace $0x90000049  }
0xb3: {  	s29 =	simm.s32 $0x9;
	_ =	strace $0x8000004B  }
0xb4: {  	_ =	swait.ge [sflag:s29], $0x1  }
0xb5: {  	[sflag:s29] =	ssyncadd.s32 $0xFFFFFFFF  }
0xb6: {  	_ =	strace $0x9000004B  }
0xb7: {  	_ =	sfence  }
0xb8: {  	s30 =	sld [smem:$0x0];
	_ =	sdelay $0x2  }
0xb9: {  	s31 =	sshll.u32 s1, $0xD;
	s1 =	sshrl.u32 s1, $0x2  }
0xba: {  	s3 =	sand.u32 $0x4000, s31;
	s1 =	sadd.s32 s1, s30  }
0xbb: {  	s0 =	sor.u32 s3, s0;
	s1 =	sshll.u32 s1, $0x11  }
0xbc: {  	s0 =	sor.u32 s1, s0  }
0xbd: {  	s0 =	sadd.s32 $0x8F2B, s0  }
0xbe: {  	[sflag:s0] =	ssyncadd.remote.s32 $0x1  }
0xbf: {  	_ =	sfence.sel $0xFFFF  }
0xc0: {  	[dreg:$0x0] =	wrdreg $0xFFFFFFFF;
	(pc) =	sbr.abs _section_cstart, $3  }
0xc1: {  	[dreg:$0x1] =	wrdreg $0xFFFFFFFF  }
0xc2: {  	_ =	task.clear_ibuf [dreg:s7], $0x2FFFF;
	_ =	strace $0x9FFFFFFF  }
0xc3: {  	(tm) =	ssettm $0x7FFFFFFF  }
tec
execute0_lowered:
.L_overlay_start_1:
0x0: {  	(tag) =	ssettag $0x1  }
0x1: {  	s1 =	rddreg [dreg:$0x0]  }
0x2: {  	s0 =	rddreg [dreg:$0x1];
	s18 =	stileid.u32  }
0x3: {  	s3 =	rddreg [dreg:$0x2];
	s6 =	smul.u32 $0x14000, s18  }
0x4: {  	s2 =	srdreg.scid;
	s20 =	smul.u32 $0x2710, s18  }
0x5: {  	s4 =	simm.s32 $0x0;
	s2 =	sand.u32 $0x1, s2;
	s22 =	smul.u32 $0x50000, s18  }
0x6: {  	[smem:$0x7FF] =	sst s4;
	s12 =	smul.u32 $0x140000, s2  }
0x7: {  	s7 =	sadd.s32 $0x15400, s0;
	s5 =	ssub.s32 $0x2, s2;
	s19 =	smul.u32 $0x27100, s2  }
0x8: {  	s2 =	sshll.u32 s2, $0x4;
	s8 =	sshrl.u32 s5, $0x1;
	s9 =	sadd.s32 $0x5000, s6  }
0x9: {  	s10 =	sadd.s32 $0x7800, s6;
	s11 =	sadd.s32 $0xA000, s6;
	s14 =	sadd.s32 $0xC800, s6  }
0xa: {  	s15 =	sadd.s32 $0xF000, s6;
	s16 =	sadd.s32 $0x11800, s6;
	s2 =	sor.u32 s18, s2  }
0xb: {  	s5 =	ssub.s32 s5, s8;
	s8 =	sor.u32 $0x2800, s6;
	s6 =	sadd.s32 s6, s12  }
0xc: {  	s17 =	sadd.s32 s12, s9;
	s26 =	sadd.s32 s12, s10;
	s28 =	sadd.s32 s12, s11  }
0xd: {  	s29 =	sadd.s32 s12, s14;
	s23 =	sadd.s32 s20, s19;
	s2 =	smul.u32 $0x2710, s2  }
0xe: {  	s13 =	sadd.s32 s12, s8;
	s6 =	sshrl.u32 s6, $0x3;
	s17 =	sshrl.u32 s17, $0x3  }
0xf: {  	s19 =	sadd.s32 $0x140, s23;
	s20 =	sadd.s32 $0x50, s23;
	s13 =	sshrl.u32 s13, $0x3  }
0x10: {  	s6 =	sadd.s32 s7, s6;
	s25 =	sadd.s32 s7, s17;
	s17 =	sshrl.u32 s29, $0x3  }
0x11: {  	s29 =	sadd.s32 s10, s3;
	s10 =	sadd.s32 s16, s3;
	[dreg:$0x4] =	wrdreg s6  }
0x12: {  	s2 =	sshrl.u32 s2, $0x3;
	s24 =	sadd.s32 s7, s13;
	[dreg:$0x6] =	wrdreg s25  }
0x13: {  	s6 =	sshrl.u32 s26, $0x3;
	s13 =	sshrl.u32 s28, $0x3;
	s26 =	sadd.s32 s8, s3  }
0x14: {  	s28 =	sadd.s32 s9, s3;
	s8 =	sadd.s32 s14, s3;
	s9 =	sadd.s32 s15, s3  }
0x15: {  	[dreg:$0x5] =	wrdreg s24;
	s6 =	sadd.s32 s7, s6;
	s31 =	sadd.s32 s7, s13  }
0x16: {  	s13 =	sadd.s32 s7, s17;
	s17 =	sadd.s32 s12, s15;
	[dreg:$0x7] =	wrdreg s6  }
0x17: {  	s12 =	sadd.s32 s12, s16;
	[dreg:$0x8] =	wrdreg s31;
	s6 =	sshrl.u32 s17, $0x3  }
0x18: {  	[dreg:$0x9] =	wrdreg s13;
	s12 =	sshrl.u32 s12, $0x3;
	s6 =	sadd.s32 s7, s6  }
0x19: {  	s14 =	smax.u32 s5, $0x1;
	s21 =	sadd.s32 s7, s12;
	[dreg:$0xa] =	wrdreg s6  }
0x1a: {  	s5 =	simm.s32 $0x400;
	s16 =	sshrl.u32 s23, $0x3;
	[dreg:$0xb] =	wrdreg s21  }
0x1b: {  	s13 =	sadd.s32 $0x1800, s0;
	_ =	strace $0x8000004A;
	[dreg:$0xe] =	wrdreg s28  }
0x1c: {  	s0 =	sadd.s32 $0xB600, s0;
	s31 =	sadd.s32 s11, s3;
	[dreg:$0xf] =	wrdreg s29  }
0x1d: {  	s11 =	sadd.s32 $0x190, s23;
	s17 =	sadd.s32 $0xF0, s23;
	[dreg:$0x10] =	wrdreg s31  }
0x1e: {  	s12 =	sadd.s32 s13, s2;
	s15 =	sshrl.u32 s11, $0x3;
	[dreg:$0x11] =	wrdreg s8  }
0x1f: {  	s25 =	sadd.s32 s16, s0;
	s18 =	sshrl.u32 s17, $0x3;
	[dreg:$0x12] =	wrdreg s9  }
0x20: {  	s7 =	simm.s32 $0x200;
	s11 =	simm.s32 $0xF;
	[dreg:$0x13] =	wrdreg s10  }
0x21: {  	s17 =	simm.s32 $0x4;
	s6 =	sshrl.u32 s22, $0x2;
	[dreg:$0x15] =	wrdreg s14  }
0x22: {  	s21 =	sadd.s32 $0xA0, s23;
	s23 =	sadd.s32 s18, s13;
	[dreg:$0x16] =	wrdreg s19  }
0x23: {  	s24 =	sadd.s32 s15, s13;
	s2 =	sadd.s32 s18, s0;
	[dreg:$0x17] =	wrdreg s23  }
0x24: {  	s15 =	simm.s32 $0x10;
	s22 =	sadd.s32 s6, s3;
	[dreg:$0x18] =	wrdreg s2  }
0x25: {  	s28 =	sshrl.u32 s20, $0x3;
	s29 =	sshrl.u32 s21, $0x3;
	[dreg:$0x14] =	wrdreg s12  }
0x26: {  	s31 =	sadd.s32 $0xA, s12;
	s6 =	simm.s32 $0x11;
	s8 =	simm.s32 $0x1  }
.Ltmp0:
0x27: {  	s9 =	simm.s32 $0x50;
	s23 =	simm.s32 $0x3;
	(pc) =	sbr.rel .LBB2_1-.Ltmp0, $4  }
0x28: {  	s2 =	simm.s32 $0x9;
	s14 =	simm.s32 $0x5;
	[dreg:$0xd] =	wrdreg s26  }
0x29: {  	s19 =	simm.s32 $0xA;
	s20 =	simm.s32 $0x6;
	[dreg:$0x1a] =	wrdreg s31  }
0x2a: {  	s30 =	sadd.s32 s28, s0;
	s0 =	sadd.s32 s29, s0;
	[dreg:$0xc] =	wrdreg s22  }
0x2b: {  	v0 =	vimm.f32 $0.0e+00;
	s12 =	simm.s32 $0x0;
	[dreg:$0x19] =	wrdreg s0;
	s0 =	sadd.s32 s29, s13  }
.LBB2_20:
0x2c: {  	s10 =	stileid.u32;
	[bflag:$0x0] =	sbarrier.arrive $0xFFFF  }
0x2d: {  	s10 =	sshll.u32 s10, $0x6;
	s22 =	rddreg [dreg:$0xc]  }
0x2e: {  	s16 =	rddreg [dreg:$0x4];
	s10 =	sor.u32 $0x1C11, s10;
	s12 =	sshrl.u32 s22, $0x3  }
0x2f: {  	[hbm:s16], [sflag:s10] =	dma.local [spmem:s12], $0x500  }
0x30: {  	_ =	swait.ge [sflag:s6], $0x500  }
0x31: {  	[sflag:s6] =	ssyncset.done $0x0;
	s26 =	rddreg [dreg:$0xd]  }
0x32: {  	s28 =	rddreg [dreg:$0x5];
	[sflag:s6] =	ssyncadd.s32 $0xFFFFFB00;
	s21 =	sshrl.u32 s26, $0x3  }
0x33: {  	[hbm:s28], [sflag:s10] =	dma.local [spmem:s21], $0x500  }
0x34: {  	_ =	swait.ge [sflag:s6], $0x500  }
0x35: {  	[sflag:s6] =	ssyncset.done $0x0;
	s29 =	rddreg [dreg:$0xe]  }
0x36: {  	s31 =	rddreg [dreg:$0x6];
	[sflag:s6] =	ssyncadd.s32 $0xFFFFFB00;
	s12 =	sshrl.u32 s29, $0x3  }
0x37: {  	[hbm:s31], [sflag:s10] =	dma.local [spmem:s12], $0x500  }
0x38: {  	_ =	swait.ge [sflag:s6], $0x500  }
0x39: {  	[sflag:s6] =	ssyncset.done $0x0;
	s16 =	rddreg [dreg:$0xf]  }
0x3a: {  	s18 =	rddreg [dreg:$0x7];
	[sflag:s6] =	ssyncadd.s32 $0xFFFFFB00;
	s12 =	sshrl.u32 s16, $0x3  }
0x3b: {  	[hbm:s18], [sflag:s10] =	dma.local [spmem:s12], $0x500  }
0x3c: {  	_ =	swait.ge [sflag:s6], $0x500  }
0x3d: {  	[sflag:s6] =	ssyncset.done $0x0;
	s21 =	rddreg [dreg:$0x10]  }
0x3e: {  	s28 =	rddreg [dreg:$0x8];
	[sflag:s6] =	ssyncadd.s32 $0xFFFFFB00;
	s12 =	sshrl.u32 s21, $0x3  }
0x3f: {  	[hbm:s28], [sflag:s10] =	dma.local [spmem:s12], $0x500  }
0x40: {  	_ =	swait.ge [sflag:s6], $0x500  }
0x41: {  	[sflag:s6] =	ssyncset.done $0x0;
	s29 =	rddreg [dreg:$0x11]  }
0x42: {  	s31 =	rddreg [dreg:$0x9];
	[sflag:s6] =	ssyncadd.s32 $0xFFFFFB00;
	s12 =	sshrl.u32 s29, $0x3  }
0x43: {  	[hbm:s31], [sflag:s10] =	dma.local [spmem:s12], $0x500  }
0x44: {  	_ =	swait.ge [sflag:s6], $0x500  }
0x45: {  	[sflag:s6] =	ssyncset.done $0x0;
	s16 =	rddreg [dreg:$0x12]  }
0x46: {  	s18 =	rddreg [dreg:$0xa];
	[sflag:s6] =	ssyncadd.s32 $0xFFFFFB00;
	s12 =	sshrl.u32 s16, $0x3  }
0x47: {  	[hbm:s18], [sflag:s10] =	dma.local [spmem:s12], $0x500  }
0x48: {  	_ =	swait.ge [sflag:s6], $0x500  }
0x49: {  	[sflag:s6] =	ssyncset.done $0x0;
	s21 =	rddreg [dreg:$0x13]  }
0x4a: {  	s28 =	rddreg [dreg:$0xb];
	[sflag:s6] =	ssyncadd.s32 $0xFFFFFB00;
	s12 =	sshrl.u32 s21, $0x3  }
0x4b: {  	[hbm:s28], [sflag:s10] =	dma.local [spmem:s12], $0x500  }
0x4c: {  	_ =	swait.ge [sflag:s6], $0x500  }
0x4d: {  	s29 =	rddreg [dreg:$0x1b]  }
0x4e: {  	s31 =	rddreg [dreg:$0x15];
	s12 =	sadd.s32 $0x1, s29  }
0x4f: {  	p0 =	sne.s32 s12, s31  }
.Ltmp1:
0x50: {  	_ = 	snop;
	(pc) =	sbr.rel @!p0 .LBB2_21-.Ltmp1, $3  }
0x51: {  	_ =	sdelay $0x1  }
0x52: {  	[sflag:s6] =	ssyncset.done $0x0  }
0x53: {  	[sflag:s6] =	ssyncadd.s32 $0xFFFFFB00  }
.LBB2_1:
0x54: {  	s31 =	sand.u32 $0xFE00, s4  }
0x55: {  	[dreg:$0x1b] =	wrdreg s12;
	s16 =	sand.u32 $0x70, s4;
	s18 =	sshrl.u32 s31, $0x2  }
0x56: {  	s12 =	simm.s32 $0x40;
	s18 =	sor.u32 s16, s18;
	s16 =	simm.s32 $0x0  }
.LBB2_2:
0x57: {  	p0 =	sne.s32 s12, $0x9FC0  }
0x58: {  	[tilespmem:s18+$0x400] =	vst v0;
	s16 =	sadd.s32 $0x10, s16;
	s18 =	smov.u32 s12;
	s12 =	sadd.s32 $0x40, s12  }
.Ltmp2:
0x59: {  	(pc) =	sbr.rel @p0 .LBB2_2-.Ltmp2, $4  }
0x5a: {  	_ = 	snop  }
0x5b: {  	s18 =	sand.u32 $0xFE00, s18  }
0x5c: {  	s21 =	sand.u32 $0x70, s16;
	s18 =	sshrl.u32 s18, $0x2  }
0x5d: {  	s18 =	sor.u32 s21, s18  }
0x5e: {  	[tilespmem:s18+$0x400] =	vst v0  }
0x5f: {  	[spmem:s22] =	stream.linear.scatter [tilespmem:s5], [sflag:$0x11], $0x2800, $0x38;
	[tilespmem:$0x1E400] =	vst v63  }
0x60: {  	_ =	swait.ge [sflag:s6], $0x2800  }
0x61: {  	[sflag:s6] =	ssyncset.done $0x0  }
0x62: {  	[sflag:s6] =	ssyncadd.s32 $0xFFFFD800  }
0x63: {  	[spmem:s26] =	stream.linear.scatter [tilespmem:s5], [sflag:$0x11], $0x2800, $0x38;
	[tilespmem:$0x1E400] =	vst v63  }
0x64: {  	_ =	swait.ge [sflag:s6], $0x2800  }
0x65: {  	[sflag:s6] =	ssyncset.done $0x0  }
0x66: {  	s10 =	rddreg [dreg:$0xe];
	[sflag:s6] =	ssyncadd.s32 $0xFFFFD800  }
0x67: {  	[spmem:s10] =	stream.linear.scatter [tilespmem:s5], [sflag:$0x11], $0x2800, $0x38;
	[tilespmem:$0x1E400] =	vst v63  }
0x68: {  	_ =	swait.ge [sflag:s6], $0x2800  }
0x69: {  	[sflag:s6] =	ssyncset.done $0x0  }
0x6a: {  	s18 =	rddreg [dreg:$0xf];
	[sflag:s6] =	ssyncadd.s32 $0xFFFFD800  }
0x6b: {  	[spmem:s18] =	stream.linear.scatter [tilespmem:s5], [sflag:$0x11], $0x2800, $0x38;
	[tilespmem:$0x1E400] =	vst v63  }
0x6c: {  	_ =	swait.ge [sflag:s6], $0x2800  }
0x6d: {  	[sflag:s6] =	ssyncset.done $0x0  }
0x6e: {  	s21 =	rddreg [dreg:$0x10];
	[sflag:s6] =	ssyncadd.s32 $0xFFFFD800  }
0x6f: {  	[spmem:s21] =	stream.linear.scatter [tilespmem:s5], [sflag:$0x11], $0x2800, $0x38;
	[tilespmem:$0x1E400] =	vst v63  }
0x70: {  	_ =	swait.ge [sflag:s6], $0x2800  }
0x71: {  	[sflag:s6] =	ssyncset.done $0x0  }
0x72: {  	s22 =	rddreg [dreg:$0x11];
	[sflag:s6] =	ssyncadd.s32 $0xFFFFD800  }
0x73: {  	[spmem:s22] =	stream.linear.scatter [tilespmem:s5], [sflag:$0x11], $0x2800, $0x38;
	[tilespmem:$0x1E400] =	vst v63  }
0x74: {  	_ =	swait.ge [sflag:s6], $0x2800  }
0x75: {  	[sflag:s6] =	ssyncset.done $0x0  }
0x76: {  	s26 =	rddreg [dreg:$0x12];
	[sflag:s6] =	ssyncadd.s32 $0xFFFFD800  }
0x77: {  	[spmem:s26] =	stream.linear.scatter [tilespmem:s5], [sflag:$0x11], $0x2800, $0x38;
	[tilespmem:$0x1E400] =	vst v63  }
0x78: {  	_ =	swait.ge [sflag:s6], $0x2800  }
0x79: {  	[sflag:s6] =	ssyncset.done $0x0  }
0x7a: {  	s28 =	rddreg [dreg:$0x13];
	[sflag:s6] =	ssyncadd.s32 $0xFFFFD800  }
0x7b: {  	[spmem:s28] =	stream.linear.scatter [tilespmem:s5], [sflag:$0x11], $0x2800, $0x38;
	[tilespmem:$0x1E400] =	vst v63  }
0x7c: {  	_ =	swait.ge [sflag:s6], $0x2800  }
0x7d: {  	[sflag:s6] =	ssyncset.done $0x0  }
0x7e: {  	[sflag:s6] =	ssyncadd.s32 $0xFFFFD800  }
0x7f: {  	[bflag:$0x0] =	sbarrier.arrive $0xFFFF  }
.Ltmp3:
0x80: {  	s29 =	rddreg [dreg:$0x14];
	(pc) =	sbr.rel .LBB2_4-.Ltmp3, $4  }
0x81: {  	s12 =	simm.s32 $0x80;
	s26 =	simm.s32 $0x0;
	s31 =	rddreg [dreg:$0x1a]  }
0x82: {  	[tilespmem:s26], [sflag:$0x1] =	stream.linear.gather [hbm4b:s29+s26], $0x50, $0x38;
	[tilespmem:$0x1E400] =	vst v63  }
0x83: {  	s16 =	simm.s32 $0x3;
	s21 =	simm.s32 $0x0;
	s18 =	rddreg [dreg:$0x16]  }
0x84: {  	[tilespmem:s12], [sflag:$0x2] =	stream.linear.gather [hbm4b:s31+s26], $0x50, $0x38;
	[tilespmem:$0x1E400] =	vst v63  }
.LBB2_17:
0x85: {  	s10 =	rddreg [dreg:$0x18]  }
0x86: {  	s12 =	simm.s32 $0x380;
	s10 =	sadd.s32 s26, s10  }
0x87: {  	[tilespmem:s12], [sflag:$0x8] =	stream.linear.gather [hbm4b:s10+s4], $0x50, $0x38;
	[tilespmem:$0x1E400] =	vst v63  }
0x88: {  	_ =	swait.ge [sflag:s17], $0x50  }
0x89: {  	[sflag:s17] =	ssyncset.done $0x0  }
0x8a: {  	s29 =	simm.s32 $0x180;
	s31 =	simm.s32 $0x7C00;
	[sflag:s17] =	ssyncadd.s32 $0xFFFFFFB0  }
0x8b: {  	[tilespmem:s31], [sflag:$0xC] =	stream.indirect.gather [hbm4b:s1+s9], $0x80, s29, s9, $0xb8;
	[tilespmem:$0x1E400] =	vst v63  }
.LBB2_18:
0x8c: {  	_ =	swait.ge [sflag:s19], $0x2800  }
0x8d: {  	[sflag:s19] =	ssyncset.done $0x0  }
0x8e: {  	[sflag:s19] =	ssyncadd.s32 $0xFFFFD800  }
0x8f: {  	_ =	swait.ge [sflag:s20], $0x50  }
0x90: {  	[sflag:s20] =	ssyncset.done $0x0  }
0x91: {  	s10 =	simm.s32 $0x280;
	s12 =	simm.s32 $0x2C00;
	[sflag:s20] =	ssyncadd.s32 $0xFFFFFFB0  }
0x92: {  	[spmem:s3] =	stream.indirect.scatter.add.f32 [tilespmem:s12], [sflag:$0xE], $0x80, s10, s9, $0xb8;
	[tilespmem:$0x1E400] =	vst v63  }
.LBB2_19:
0x93: {  	p0 =	sgt.u32 s21, $0x1D  }
0x94: {  	s10 =	sadd.s32 @!p0 s26, s24  }
0x95: {  	s12 =	simm.s32 @!p0 $0x0;
	s22 =	simm.s32 @!p0 $0x80;
	s26 =	sadd.s32 $0x28, s26  }
0x96: {  	[tilespmem:s22], [sflag:$0x2] =	stream.linear.gather @!p0 [hbm4b:s10+s12], $0x50, $0x38;
	[tilespmem:$0x1E400] =	vst v63  }
0x97: {  	p0 =	sne.s32 s26, $0x528  }
.Ltmp4:
0x98: {  	_ = 	snop;
	(pc) =	sbr.rel @!p0 .LBB2_20-.Ltmp4, $2  }
0x99: {  	_ =	sdelay $0x2  }
0x9a: {  	s21 =	sadd.s32 $0x1, s21;
	s18 =	sadd.s32 $0x140, s18;
	s16 =	sadd.s32 $0x4, s16  }
.LBB2_4:
0x9b: {  	s12 =	sadd.s32 $0xFFFFFFF9, s16;
	p1 =	seq.s32 s26, $0x500  }
.Ltmp5:
0x9c: {  	p0 =	sgt.u32 s12, $0x7C;
	(pc) =	sbr.rel @p1 .LBB2_20-.Ltmp5, $4  }
0x9d: {  	s12 =	simm.s32 @!p0 $0xD  }
0x9e: {  	_ =	swait.ge @!p0 [sflag:s12], $0x2800  }
0x9f: {  	[sflag:s12] =	ssyncset.done @!p0 $0x0  }
0xa0: {  	[sflag:s12] =	ssyncadd.s32 @!p0 $0xFFFFD800  }
0xa1: {  	s12 =	sadd.s32 s26, s25  }
0xa2: {  	[tilespmem:s7], [sflag:$0x5] =	stream.linear.gather [hbm4b:s12+s4], $0x50, $0x38;
	[tilespmem:$0x1E400] =	vst v63  }
0xa3: {  	s22 =	sadd.s32 $0xFFFFFFFB, s16;
	_ =	swait.ge [sflag:s8], $0x50  }
0xa4: {  	p1 =	sgt.u32 s22, $0x7C;
	[sflag:s8] =	ssyncset.done $0x0  }
0xa5: {  	s12 =	simm.s32 @!p1 $0xB;
	[sflag:s8] =	ssyncadd.s32 $0xFFFFFFB0  }
0xa6: {  	[tilespmem:s5], [sflag:$0x9] =	stream.indirect.gather [hbm4b:s1+s9], $0x80, s4, s9, $0xb8;
	[tilespmem:$0x1E400] =	vst v63  }
0xa7: {  	_ =	swait.ge @!p1 [sflag:s12], $0x2800  }
0xa8: {  	[sflag:s12] =	ssyncset.done @!p1 $0x0  }
0xa9: {  	[sflag:s12] =	ssyncadd.s32 @!p1 $0xFFFFD800;
	s12 =	simm.s32 @!p1 $0x7  }
0xaa: {  	_ =	swait.ge @!p1 [sflag:s12], $0x50  }
0xab: {  	s28 =	simm.s32 @!p1 $0x300;
	[sflag:s12] =	ssyncset.done @!p1 $0x0  }
0xac: {  	s29 =	simm.s32 @!p1 $0x5400;
	[sflag:s12] =	ssyncadd.s32 @!p1 $0xFFFFFFB0;
	s12 =	simm.s32 @!p1 $0x50  }
0xad: {  	[spmem:s3] =	stream.indirect.scatter.add.f32 @!p1 [tilespmem:s29], [sflag:$0xF], $0x80, s28, s12, $0xb8;
	[tilespmem:$0x1E400] =	vst v63  }
0xae: {  	s12 =	sadd.s32 $0xFFFFFFFF, s16  }
0xaf: {  	p2 =	sgt.u32 s12, $0x7C  }
0xb0: {  	s28 =	sadd.s32 @!p2 s26, s0;
	s29 =	simm.s32 @!p2 $0x0;
	s31 =	simm.s32 @!p2 $0x100  }
0xb1: {  	[tilespmem:s31], [sflag:$0x3] =	stream.linear.gather @!p2 [hbm4b:s28+s29], $0x50, $0x38;
	[tilespmem:$0x1E400] =	vst v63  }
0xb2: {  	p0 =	seq.s32 s26, $0x0;
	s28 =	sadd.s32 $0xFFFFFFFE, s16  }
0xb3: {  	p3 =	sgt.u32 @!p0 s28, $0x80  }
0xb4: {  	p3 =	por p3, p0  }
0xb5: {  	s29 =	simm.s32 @!p3 $0xE  }
0xb6: {  	_ =	swait.ge @!p3 [sflag:s29], $0x2800  }
0xb7: {  	[sflag:s29] =	ssyncset.done @!p3 $0x0  }
0xb8: {  	[sflag:s29] =	ssyncadd.s32 @!p3 $0xFFFFD800;
	p3 =	sgt.u32 s28, $0x7C  }
0xb9: {  	s29 =	sadd.s32 @!p3 s26, s30;
	s31 =	simm.s32 @!p3 $0x0;
	s10 =	simm.s32 @!p3 $0x280  }
0xba: {  	[tilespmem:s10], [sflag:$0x6] =	stream.linear.gather @!p3 [hbm4b:s29+s31], $0x50, $0x38;
	[tilespmem:$0x1E400] =	vst v63  }
0xbb: {  	s10 =	simm.s32 @!p3 $0x2  }
0xbc: {  	_ =	swait.ge @!p3 [sflag:s10], $0x50  }
0xbd: {  	s29 =	simm.s32 @!p3 $0x80;
	[sflag:s10] =	ssyncset.done @!p3 $0x0  }
0xbe: {  	s31 =	simm.s32 @!p3 $0x2C00;
	[sflag:s10] =	ssyncadd.s32 @!p3 $0xFFFFFFB0;
	s10 =	simm.s32 @!p3 $0x50  }
0xbf: {  	[tilespmem:s31], [sflag:$0xA] =	stream.indirect.gather @!p3 [hbm4b:s1+s10], $0x80, s29, s10, $0xb8;
	[tilespmem:$0x1E400] =	vst v63  }
0xc0: {  	p3 =	sgt.u32 @!p0 s28, $0x7E  }
0xc1: {  	p3 =	por p3, p0  }
0xc2: {  	s10 =	simm.s32 @!p3 $0xC  }
0xc3: {  	_ =	swait.ge @!p3 [sflag:s10], $0x2800  }
0xc4: {  	[sflag:s10] =	ssyncset.done @!p3 $0x0  }
0xc5: {  	[sflag:s10] =	ssyncadd.s32 @!p3 $0xFFFFD800;
	s10 =	simm.s32 @!p3 $0x8  }
0xc6: {  	_ =	swait.ge @!p3 [sflag:s10], $0x50  }
0xc7: {  	s28 =	simm.s32 @!p3 $0x380;
	[sflag:s10] =	ssyncset.done @!p3 $0x0  }
0xc8: {  	s29 =	simm.s32 @!p3 $0x7C00;
	[sflag:s10] =	ssyncadd.s32 @!p3 $0xFFFFFFB0;
	s10 =	simm.s32 @!p3 $0x50  }
0xc9: {  	[spmem:s3] =	stream.indirect.scatter.add.f32 @!p3 [tilespmem:s29], [sflag:$0x10], $0x80, s28, s10, $0xb8;
	[tilespmem:$0x1E400] =	vst v63  }
0xca: {  	p3 =	sgt.u32 s16, $0x7C  }
.Ltmp6:
0xcb: {  	_ = 	snop;
	(pc) =	sbr.rel @p3 .LBB2_9-.Ltmp6, $1  }
0xcc: {  	_ =	sdelay $0x3  }
0xcd: {  	p1 =	slt.u32 s22, $0x7D  }
.Ltmp7:
0xce: {  	_ = 	snop;
	(pc) =	sbr.rel @p1 .LBB2_10-.Ltmp7, $4  }
0xcf: {  	_ = 	snop  }
0xd0: {  	s10 =	rddreg [dreg:$0x17]  }
0xd1: {  	s28 =	simm.s32 $0x180;
	s10 =	sadd.s32 s26, s10  }
0xd2: {  	[tilespmem:s28], [sflag:$0x4] =	stream.linear.gather [hbm4b:s10+s4], $0x50, $0x38;
	[tilespmem:$0x1E400] =	vst v63  }
.LBB2_7:
.Ltmp8:
0xd3: {  	(pc) =	sbr.rel @p2 .LBB2_8-.Ltmp8, $1  }
0xd4: {  	_ =	sdelay $0x3  }
.LBB2_11:
0xd5: {  	s10 =	rddreg [dreg:$0x19]  }
0xd6: {  	s12 =	simm.s32 $0x300;
	s10 =	sadd.s32 s26, s10  }
0xd7: {  	[tilespmem:s12], [sflag:$0x7] =	stream.linear.gather [hbm4b:s10+s4], $0x50, $0x38;
	[tilespmem:$0x1E400] =	vst v63  }
.Ltmp9:
0xd8: {  	_ = 	snop;
	(pc) =	sbr.rel .LBB2_12-.Ltmp9, $4  }
0xd9: {  	_ =	swait.ge [sflag:s23], $0x50  }
0xda: {  	[sflag:s23] =	ssyncset.done $0x0  }
0xdb: {  	s29 =	simm.s32 $0x100;
	s31 =	simm.s32 $0x5400;
	[sflag:s23] =	ssyncadd.s32 $0xFFFFFFB0  }
0xdc: {  	[tilespmem:s31], [sflag:$0xB] =	stream.indirect.gather [hbm4b:s1+s9], $0x80, s29, s9, $0xb8;
	[tilespmem:$0x1E400] =	vst v63  }
.LBB2_9:
.Ltmp10:
0xdd: {  	(pc) =	sbr.rel @p1 .LBB2_7-.Ltmp10, $1  }
0xde: {  	_ =	sdelay $0x3  }
.LBB2_10:
0xdf: {  	p1 =	slt.u32 s12, $0x7D  }
.Ltmp11:
0xe0: {  	_ = 	snop;
	(pc) =	sbr.rel @p1 .LBB2_11-.Ltmp11, $4  }
0xe1: {  	_ = 	snop  }
0xe2: {  	_ =	swait.ge [sflag:s11], $0x2800  }
0xe3: {  	[sflag:s11] =	ssyncset.done $0x0  }
0xe4: {  	[sflag:s11] =	ssyncadd.s32 $0xFFFFD800  }
.LBB2_8:
0xe5: {  	p1 =	sgt.u32 s12, $0x7E  }
.Ltmp12:
0xe6: {  	_ = 	snop;
	(pc) =	sbr.rel @p1 .LBB2_13-.Ltmp12, $1  }
0xe7: {  	_ =	sdelay $0x3  }
.LBB2_12:
0xe8: {  	_ =	swait.ge [sflag:s2], $0x2800  }
0xe9: {  	[sflag:s2] =	ssyncset.done $0x0  }
0xea: {  	[sflag:s2] =	ssyncadd.s32 $0xFFFFD800  }
0xeb: {  	_ =	swait.ge [sflag:s14], $0x50  }
0xec: {  	[sflag:s14] =	ssyncset.done $0x0  }
0xed: {  	[sflag:s14] =	ssyncadd.s32 $0xFFFFFFB0  }
0xee: {  	[spmem:s3] =	stream.indirect.scatter.add.f32 [tilespmem:s5], [sflag:$0xD], $0x80, s7, s9, $0xb8;
	[tilespmem:$0x1E400] =	vst v63  }
.LBB2_13:
0xef: {  	p1 =	sgt.u32 s21, $0x1E  }
0xf0: {  	s10 =	sshrl.u32 @!p1 s18, $0x3  }
0xf1: {  	s12 =	simm.s32 @!p1 $0x0;
	s10 =	sadd.s32 @!p1 s13, s10  }
0xf2: {  	[tilespmem:s12], [sflag:$0x1] =	stream.linear.gather @!p1 [hbm4b:s10+s12], $0x50, $0x38;
	[tilespmem:$0x1E400] =	vst v63  }
0xf3: {  	p1 =	sgt.u32 @!p0 s16, $0x80  }
0xf4: {  	p0 =	por p0, p1  }
.Ltmp13:
0xf5: {  	_ = 	snop;
	(pc) =	sbr.rel @p0 .LBB2_16-.Ltmp13, $1  }
0xf6: {  	_ =	sdelay $0x3  }
0xf7: {  	p0 =	slt.u32 s16, $0x7D  }
.Ltmp14:
0xf8: {  	_ = 	snop;
	(pc) =	sbr.rel @p0 .LBB2_17-.Ltmp14, $4  }
.Ltmp15:
0xf9: {  	_ = 	snop;
	(pc) =	sbr.rel @!p0 .LBB2_15-.Ltmp15, $4  }
0xfa: {  	_ =	swait.ge [sflag:s15], $0x2800  }
0xfb: {  	[sflag:s15] =	ssyncset.done $0x0  }
0xfc: {  	[sflag:s15] =	ssyncadd.s32 $0xFFFFD800  }
0xfd: {  	_ = 	snop  }
.LBB2_16:
.Ltmp16:
0xfe: {  	(pc) =	sbr.rel @!p3 .LBB2_17-.Ltmp16, $1  }
0xff: {  	_ =	sdelay $0x3  }
.LBB2_15:
0x100: {  	p0 =	sgt.u32 s16, $0x7E  }
.Ltmp17:
0x101: {  	_ = 	snop;
	(pc) =	sbr.rel @p0 .LBB2_19-.Ltmp17, $4  }
.Ltmp18:
0x102: {  	_ = 	snop;
	(pc) =	sbr.rel @!p0 .LBB2_18-.Ltmp18, $4  }
0x103: {  	_ = 	snop  }
0x104: {  	_ = 	snop  }
0x105: {  	_ = 	snop  }
0x106: {  	_ = 	snop  }
.LBB2_21:
0x107: {  	_ =	sfence.sel $0x180000  }
0x108: {  	[bflag:$0x0] =	sbarrier.arrive $0xFFFF  }
0x109: {  	_ =	strace $0x9000004A  }
0x10a: {  	s0 =	stileid.u32;
	[bflag:$0x2] =	sbarrier.arrive $0xFFFF  }
0x10b: {  	p0 =	sne.s32 s0, $0x0;
	s0 =	rddreg [dreg:$0x3]  }
0x10c: {  	s0 =	sadd.s32 @!p0 $0x100000, s0  }
0x10d: {  	[sflag:s0] =	ssyncadd.tile.s32 @!p0 $0x1;
	_ =	shalt  }
.Lfunc_end2:
_tile_overlayer_lowered:
.L_overlay_start_2:
0x10e: {  	(tag) =	ssettag $0x2  }
0x10f: {  	s0 =	rddreg [dreg:$0x0];
	s2 =	stileid.u32  }
0x110: {  	s1 =	rddreg [dreg:$0x1];
	p0 =	sne.s32 s2, $0x0  }
0x111: {  	s3 =	rddreg [dreg:$0x2];
	[bflag:$0x3] =	sbarrier.arrive $0xFFFF;
	s2 =	simm.s32 @!p0 $0x1C11  }
0x112: {  	[timem:s3], [sflag:s2] =	dma.local @!p0 [hbm:s0], s1  }
0x113: {  	s0 =	simm.s32 @!p0 $0x11  }
0x114: {  	_ =	swait.ge @!p0 [sflag:s0], s1  }
0x115: {  	s1 =	ssub.s32 @!p0 $0x0, s1;
	[sflag:s0] =	ssyncset.done @!p0 $0x0  }
0x116: {  	[sflag:s0] =	ssyncadd.s32 @!p0 s1  }
0x117: {  	[bflag:$0x3] =	sbarrier.arrive $0xFFFF  }
0x118: {  	_ =	shalt  }

</sc_bundles>
